<compile_context>
chip_gen: v7x
topology: tpu7x:2x2x1
jax: 0.10.2.dev20260603
libtpu: 0.0.44.dev20260713+nightly
codegen_flags: <defaults>
</compile_context>

<pallas_src>
import functools

import jax
import jax.numpy as jnp
from jax import lax
from jax.experimental import pallas as pl
from jax.experimental.pallas import tpu as pltpu
from jax.experimental.pallas import tpu_sc as plsc

_K = 8192
_D = 32
_N = 8192
_TB = 512
_NB = _N // _TB
_NW = 32
_TPW = _N // _NW


def _argmin_body(x_ref, wt_ref, out_ref, loss_ref, w2_ref):
    i = pl.program_id(0)

    @pl.when(i == 0)
    def _():
        wt0 = wt_ref[...]
        w2_ref[...] = jnp.sum(wt0 * wt0, axis=0, keepdims=True)

    x = x_ref[...]
    x2 = jnp.sum(x * x, axis=1, keepdims=True)
    w2 = w2_ref[...]
    xw = lax.dot_general(x.astype(jnp.bfloat16), wt_ref[...].astype(jnp.bfloat16),
                         (((1,), (0,)), ((), ())),
                         preferred_element_type=jnp.float32)
    dist = x2 + w2 - 2.0 * xw
    _C = 2048
    acc_v = None
    acc_i = None
    true_min = None
    for c in range(_K // _C):
        dc = dist[:, c * _C:(c + 1) * _C]
        mv = jnp.min(dc, axis=1)
        mi = jnp.argmin(dc, axis=1).astype(jnp.int32) + c * _C
        if c == 0:
            acc_v, acc_i, true_min = mv, mi, mv
        else:
            take = mv < acc_v
            acc_i = jnp.where(take, mi, acc_i)
            acc_v = jnp.where(take, mv, acc_v)
            true_min = jnp.minimum(true_min, mv)
        acc_v = acc_v.astype(jnp.bfloat16).astype(jnp.float32)
    out_ref[...] = acc_i
    loss_ref[...] = jnp.reshape(jnp.sum(true_min), (1, 1, 1))


def _argmin_indices(x, wt):
    return pl.pallas_call(
        _argmin_body,
        grid=(_NB,),
        in_specs=[
            pl.BlockSpec((_TB, _D), lambda i: (i, 0)),
            pl.BlockSpec((_D, _K), lambda i: (0, 0)),
        ],
        out_specs=[
            pl.BlockSpec((_TB,), lambda i: (i,)),
            pl.BlockSpec((1, 1, 1), lambda i: (i, 0, 0)),
        ],
        out_shape=[
            jax.ShapeDtypeStruct((_N,), jnp.int32),
            jax.ShapeDtypeStruct((_NB, 1, 1), jnp.float32),
        ],
        scratch_shapes=[pltpu.VMEM((1, _K), jnp.float32)],
    )(x, wt)


def _sc_gather_hist(weight, idx2d):
    mesh = plsc.VectorSubcoreMesh(core_axis_name="c", subcore_axis_name="s")

    @functools.partial(
        pl.kernel, mesh=mesh,
        out_type=[
            jax.ShapeDtypeStruct((_N, _D), jnp.float32),
            jax.ShapeDtypeStruct((2, _K), jnp.float32),
        ],
        scratch_types=[
            pltpu.VMEM((2, 128), jnp.int32),
            pltpu.VMEM((_TPW, _D), jnp.float32),
            pltpu.VMEM((128,), jnp.float32),
            pltpu.VMEM((512,), jnp.float32),
            pltpu.VMEM_SHARED((_K,), jnp.float32),
            pltpu.SemaphoreType.DMA,
        ],
        compiler_params=pltpu.CompilerParams(use_tc_tiling_on_sc=False),
    )
    def body(w_hbm, idx_hbm, quant_hbm, counts_hbm,
             idx_v, rows_v, ones_v, zeros_v, hist_sh, gsem):
        c = lax.axis_index("c")
        s = lax.axis_index("s")
        wid = s * 2 + c
        for i in range(8):
            ones_v[pl.ds(i * 16, 16)] = jnp.ones((16,), jnp.float32)
        for i in range(32):
            zeros_v[pl.ds(i * 16, 16)] = jnp.zeros((16,), jnp.float32)
        pltpu.sync_copy(zeros_v, hist_sh.at[pl.ds(s * 512, 512)])
        pltpu.sync_copy(idx_hbm.at[pl.ds(wid * 2, 2)], idx_v)
        cp0 = pltpu.async_copy(w_hbm.at[idx_v.at[0]], rows_v.at[pl.ds(0, 128)], gsem)
        cp1 = pltpu.async_copy(w_hbm.at[idx_v.at[1]], rows_v.at[pl.ds(128, 128)], gsem)
        cp0.wait()
        cp1.wait()
        pltpu.sync_copy(rows_v, quant_hbm.at[pl.ds(wid * _TPW, _TPW)])
        plsc.subcore_barrier()
        pltpu.sync_copy(ones_v, hist_sh.at[idx_v.at[0]], add=True)
        pltpu.sync_copy(ones_v, hist_sh.at[idx_v.at[1]], add=True)
        plsc.subcore_barrier()

        @pl.when(s == 0)
        def _():
            pltpu.sync_copy(hist_sh, counts_hbm.at[c])

    return body(weight, idx2d)


def _stats_body(lp_ref, c2_ref, loss_ref, perp_ref):
    e = jnp.sum(lp_ref[...]) * (1.0 / float(_N * _D))
    loss_ref[...] = jnp.reshape(0.25 * e, (1, 1))
    p = jnp.sum(c2_ref[...], axis=0, keepdims=True) * (1.0 / float(_N))
    ent = jnp.sum(p * jnp.log(p + 1e-10))
    perp_ref[...] = jnp.reshape(jnp.exp(-ent), (1, 1))


def _stats(loss_parts, counts2):
    return pl.pallas_call(
        _stats_body,
        in_specs=[
            pl.BlockSpec((_NB, 1, 1), lambda: (0, 0, 0)),
            pl.BlockSpec((2, _K), lambda: (0, 0)),
        ],
        out_specs=[
            pl.BlockSpec((1, 1), lambda: (0, 0)),
            pl.BlockSpec((1, 1), lambda: (0, 0)),
        ],
        out_shape=[
            jax.ShapeDtypeStruct((1, 1), jnp.float32),
            jax.ShapeDtypeStruct((1, 1), jnp.float32),
        ],
    )(loss_parts, counts2)


def kernel(inputs, weight):
    x = jnp.transpose(inputs, (0, 2, 3, 1)).reshape(_N, _D)
    wt = weight.T
    idx, loss_parts = _argmin_indices(x, wt)
    quant, counts2 = _sc_gather_hist(weight, idx.reshape(_N // 128, 128))
    loss, perp = _stats(loss_parts, counts2)
    qbhwc = quant.reshape(8, 32, 32, _D)
    return (loss.reshape(()),
            jnp.transpose(qbhwc, (0, 3, 1, 2)),
            perp.reshape(()),
            quant.reshape(8, -1))

# --- scband reference (transcript-rebuilt; emitter-appended) ---
"""Pipeline reference for scband-vector-quantizer-ema-10763188044255 (READ-ONLY COPY).

The authoritative reference and input builder live on the scoring server;
editing this copy changes nothing except your own understanding.
"""

import jax, jax.numpy as jnp
import numpy as np

NUM_EMBEDDINGS = 8192
EMBEDDING_DIM = 32
COMMITMENT_COST = 0.25


def setup_inputs(seed: int = 0) -> dict:
    key = jax.random.key(seed)
    k1, k2 = jax.random.split(key)
    inputs = jax.random.normal(k1, (8, 32, 32, 32), dtype=jnp.float32)  # [B, C=embedding_dim, H, W]
    weight = jax.random.normal(k2, (NUM_EMBEDDINGS, EMBEDDING_DIM), dtype=jnp.float32)  # codebook
    return {"inputs": inputs, "weight": weight}


def reference(inputs, weight):
    # permute BCHW -> BHWC
    x = jnp.transpose(inputs, (0, 2, 3, 1))
    input_shape = x.shape
    batch_size = x.shape[0]
    flat_input = x.reshape(-1, EMBEDDING_DIM)
    # squared L2 distances to every code
    distances = (jnp.sum(flat_input ** 2, axis=1, keepdims=True)
                 + jnp.sum(weight ** 2, axis=1)
                 - 2.0 * jnp.matmul(flat_input, weight.T))
    encoding_indices = jnp.argmin(distances, axis=1)
    encodings = jax.nn.one_hot(encoding_indices, NUM_EMBEDDINGS, dtype=jnp.float32)
    quantized = jnp.matmul(encodings, weight).reshape(input_shape)
    # NOTE: the torch module's EMA branch (training mode) only mutates buffers AFTER
    # quantized is computed; the returned tensors are identical in train/eval, so the
    # EMA state update is omitted from this functional reference.
    e_latent_loss = jnp.mean((jax.lax.stop_gradient(quantized) - x) ** 2)
    loss = COMMITMENT_COST * e_latent_loss
    quantized = x + jax.lax.stop_gradient(quantized - x)  # straight-through
    avg_probs = jnp.mean(encodings, axis=0)
    perplexity = jnp.exp(-jnp.sum(avg_probs * jnp.log(avg_probs + 1e-10)))
    return (loss,
            jnp.transpose(quantized, (0, 3, 1, 2)),
            perplexity,
            quantized.reshape(batch_size, -1))

if __name__ == "__main__":
    import jax
    _d = setup_inputs()
    print(jax.jit(kernel)(*tuple(_d.values())))

</pallas_src>

<mosaic_0001>
#map = affine_map<(d0, d1) -> (0, 0)>
module attributes {stable_mosaic.version = 14 : i64} {
  func.func @body(%arg0: i32, %arg1: i32, %arg2: memref<8192x32xf32, #tpu.memory_space<hbm>>, %arg3: memref<64x128xi32, #tpu.memory_space<hbm>>, %arg4: memref<8192x32xf32, #tpu.memory_space<hbm>>, %arg5: memref<2x8192xf32, #tpu.memory_space<hbm>>, %arg6: memref<2x128xi32, #tpu.memory_space<vmem>>, %arg7: memref<256x32xf32, #tpu.memory_space<vmem>>, %arg8: memref<128xf32, #tpu.memory_space<vmem>>, %arg9: memref<512xf32, #tpu.memory_space<vmem>>, %arg10: memref<8192xf32, #tpu.memory_space<vmem_shared>>, %arg11: memref<!tpu.dma_semaphore, #tpu.memory_space<semaphore_mem>>) attributes {dimension_semantics = [#tpu.dimension_semantics<core_parallel>, #tpu.dimension_semantics<subcore_parallel>], iteration_bounds = array<i64: 2, 16>, scalar_prefetch = 0 : i64, scratch_operands = 6 : i64, tpu.core_type = #tpu.core_type<sc_vector_subcore>, window_params = [{transform_indices = #map}, {transform_indices = #map}, {transform_indices = #map}, {transform_indices = #map}]} {
    %mul3A = arith.constant 2 : i32
    %mul3A_0 = arith.muli %arg1, %mul3A : i32
    %add3A = arith.addi %mul3A_0, %arg0 : i32
    %broadcast_in_dim3A = arith.constant 1.000000e+00 : f32
    %broadcast_in_dim3A_1 = vector.broadcast %broadcast_in_dim3A : f32 to vector<16xf32>
    %swap3A = arith.constant 0 : index
    %swap3A_2 = tpu.vector_load %arg8[%swap3A] {strides = array<i32>} : memref<128xf32, #tpu.memory_space<vmem>>, vector<16xf32>,
    %swap3A_3 = vector.shape_cast %swap3A_2 : vector<16xf32> to vector<16xf32>
    %swap3A_4 = vector.shape_cast %broadcast_in_dim3A_1 : vector<16xf32> to vector<16xf32>
    tpu.vector_store %arg8[%swap3A], %swap3A_4 {strides = array<i32>} : memref<128xf32, #tpu.memory_space<vmem>>, vector<16xf32>,
    %broadcast_in_dim3A_5 = arith.constant 1.000000e+00 : f32
    %broadcast_in_dim3A_6 = vector.broadcast %broadcast_in_dim3A_5 : f32 to vector<16xf32>
    %swap3A_7 = arith.constant 16 : index
    %swap3A_8 = tpu.vector_load %arg8[%swap3A_7] {strides = array<i32>} : memref<128xf32, #tpu.memory_space<vmem>>, vector<16xf32>,
    %swap3A_9 = vector.shape_cast %swap3A_8 : vector<16xf32> to vector<16xf32>
    %swap3A_10 = vector.shape_cast %broadcast_in_dim3A_6 : vector<16xf32> to vector<16xf32>
    tpu.vector_store %arg8[%swap3A_7], %swap3A_10 {strides = array<i32>} : memref<128xf32, #tpu.memory_space<vmem>>, vector<16xf32>,
    %broadcast_in_dim3A_11 = arith.constant 1.000000e+00 : f32
    %broadcast_in_dim3A_12 = vector.broadcast %broadcast_in_dim3A_11 : f32 to vector<16xf32>
    %swap3A_13 = arith.constant 32 : index
    %swap3A_14 = tpu.vector_load %arg8[%swap3A_13] {strides = array<i32>} : memref<128xf32, #tpu.memory_space<vmem>>, vector<16xf32>,
    %swap3A_15 = vector.shape_cast %swap3A_14 : vector<16xf32> to vector<16xf32>
    %swap3A_16 = vector.shape_cast %broadcast_in_dim3A_12 : vector<16xf32> to vector<16xf32>
    tpu.vector_store %arg8[%swap3A_13], %swap3A_16 {strides = array<i32>} : memref<128xf32, #tpu.memory_space<vmem>>, vector<16xf32>,
    %broadcast_in_dim3A_17 = arith.constant 1.000000e+00 : f32
    %broadcast_in_dim3A_18 = vector.broadcast %broadcast_in_dim3A_17 : f32 to vector<16xf32>
    %swap3A_19 = arith.constant 48 : index
    %swap3A_20 = tpu.vector_load %arg8[%swap3A_19] {strides = array<i32>} : memref<128xf32, #tpu.memory_space<vmem>>, vector<16xf32>,
    %swap3A_21 = vector.shape_cast %swap3A_20 : vector<16xf32> to vector<16xf32>
    %swap3A_22 = vector.shape_cast %broadcast_in_dim3A_18 : vector<16xf32> to vector<16xf32>
    tpu.vector_store %arg8[%swap3A_19], %swap3A_22 {strides = array<i32>} : memref<128xf32, #tpu.memory_space<vmem>>, vector<16xf32>,
    %broadcast_in_dim3A_23 = arith.constant 1.000000e+00 : f32
    %broadcast_in_dim3A_24 = vector.broadcast %broadcast_in_dim3A_23 : f32 to vector<16xf32>
    %swap3A_25 = arith.constant 64 : index
    %swap3A_26 = tpu.vector_load %arg8[%swap3A_25] {strides = array<i32>} : memref<128xf32, #tpu.memory_space<vmem>>, vector<16xf32>,
    %swap3A_27 = vector.shape_cast %swap3A_26 : vector<16xf32> to vector<16xf32>
    %swap3A_28 = vector.shape_cast %broadcast_in_dim3A_24 : vector<16xf32> to vector<16xf32>
    tpu.vector_store %arg8[%swap3A_25], %swap3A_28 {strides = array<i32>} : memref<128xf32, #tpu.memory_space<vmem>>, vector<16xf32>,
    %broadcast_in_dim3A_29 = arith.constant 1.000000e+00 : f32
    %broadcast_in_dim3A_30 = vector.broadcast %broadcast_in_dim3A_29 : f32 to vector<16xf32>
    %swap3A_31 = arith.constant 80 : index
    %swap3A_32 = tpu.vector_load %arg8[%swap3A_31] {strides = array<i32>} : memref<128xf32, #tpu.memory_space<vmem>>, vector<16xf32>,
    %swap3A_33 = vector.shape_cast %swap3A_32 : vector<16xf32> to vector<16xf32>
    %swap3A_34 = vector.shape_cast %broadcast_in_dim3A_30 : vector<16xf32> to vector<16xf32>
    tpu.vector_store %arg8[%swap3A_31], %swap3A_34 {strides = array<i32>} : memref<128xf32, #tpu.memory_space<vmem>>, vector<16xf32>,
    %broadcast_in_dim3A_35 = arith.constant 1.000000e+00 : f32
    %broadcast_in_dim3A_36 = vector.broadcast %broadcast_in_dim3A_35 : f32 to vector<16xf32>
    %swap3A_37 = arith.constant 96 : index
    %swap3A_38 = tpu.vector_load %arg8[%swap3A_37] {strides = array<i32>} : memref<128xf32, #tpu.memory_space<vmem>>, vector<16xf32>,
    %swap3A_39 = vector.shape_cast %swap3A_38 : vector<16xf32> to vector<16xf32>
    %swap3A_40 = vector.shape_cast %broadcast_in_dim3A_36 : vector<16xf32> to vector<16xf32>
    tpu.vector_store %arg8[%swap3A_37], %swap3A_40 {strides = array<i32>} : memref<128xf32, #tpu.memory_space<vmem>>, vector<16xf32>,
    %broadcast_in_dim3A_41 = arith.constant 1.000000e+00 : f32
    %broadcast_in_dim3A_42 = vector.broadcast %broadcast_in_dim3A_41 : f32 to vector<16xf32>
    %swap3A_43 = arith.constant 112 : index
    %swap3A_44 = tpu.vector_load %arg8[%swap3A_43] {strides = array<i32>} : memref<128xf32, #tpu.memory_space<vmem>>, vector<16xf32>,
    %swap3A_45 = vector.shape_cast %swap3A_44 : vector<16xf32> to vector<16xf32>
    %swap3A_46 = vector.shape_cast %broadcast_in_dim3A_42 : vector<16xf32> to vector<16xf32>
    tpu.vector_store %arg8[%swap3A_43], %swap3A_46 {strides = array<i32>} : memref<128xf32, #tpu.memory_space<vmem>>, vector<16xf32>,
    %broadcast_in_dim3A_47 = arith.constant 0.000000e+00 : f32
    %broadcast_in_dim3A_48 = vector.broadcast %broadcast_in_dim3A_47 : f32 to vector<16xf32>
    %swap3A_49 = arith.constant 0 : index
    %swap3A_50 = tpu.vector_load %arg9[%swap3A_49] {strides = array<i32>} : memref<512xf32, #tpu.memory_space<vmem>>, vector<16xf32>,
    %swap3A_51 = vector.shape_cast %swap3A_50 : vector<16xf32> to vector<16xf32>
    %swap3A_52 = vector.shape_cast %broadcast_in_dim3A_48 : vector<16xf32> to vector<16xf32>
    tpu.vector_store %arg9[%swap3A_49], %swap3A_52 {strides = array<i32>} : memref<512xf32, #tpu.memory_space<vmem>>, vector<16xf32>,
    %broadcast_in_dim3A_53 = arith.constant 0.000000e+00 : f32
    %broadcast_in_dim3A_54 = vector.broadcast %broadcast_in_dim3A_53 : f32 to vector<16xf32>
    %swap3A_55 = arith.constant 16 : index
    %swap3A_56 = tpu.vector_load %arg9[%swap3A_55] {strides = array<i32>} : memref<512xf32, #tpu.memory_space<vmem>>, vector<16xf32>,
    %swap3A_57 = vector.shape_cast %swap3A_56 : vector<16xf32> to vector<16xf32>
    %swap3A_58 = vector.shape_cast %broadcast_in_dim3A_54 : vector<16xf32> to vector<16xf32>
    tpu.vector_store %arg9[%swap3A_55], %swap3A_58 {strides = array<i32>} : memref<512xf32, #tpu.memory_space<vmem>>, vector<16xf32>,
    %broadcast_in_dim3A_59 = arith.constant 0.000000e+00 : f32
    %broadcast_in_dim3A_60 = vector.broadcast %broadcast_in_dim3A_59 : f32 to vector<16xf32>
    %swap3A_61 = arith.constant 32 : index
    %swap3A_62 = tpu.vector_load %arg9[%swap3A_61] {strides = array<i32>} : memref<512xf32, #tpu.memory_space<vmem>>, vector<16xf32>,
    %swap3A_63 = vector.shape_cast %swap3A_62 : vector<16xf32> to vector<16xf32>
    %swap3A_64 = vector.shape_cast %broadcast_in_dim3A_60 : vector<16xf32> to vector<16xf32>
    tpu.vector_store %arg9[%swap3A_61], %swap3A_64 {strides = array<i32>} : memref<512xf32, #tpu.memory_space<vmem>>, vector<16xf32>,
    %broadcast_in_dim3A_65 = arith.constant 0.000000e+00 : f32
    %broadcast_in_dim3A_66 = vector.broadcast %broadcast_in_dim3A_65 : f32 to vector<16xf32>
    %swap3A_67 = arith.constant 48 : index
    %swap3A_68 = tpu.vector_load %arg9[%swap3A_67] {strides = array<i32>} : memref<512xf32, #tpu.memory_space<vmem>>, vector<16xf32>,
    %swap3A_69 = vector.shape_cast %swap3A_68 : vector<16xf32> to vector<16xf32>
    %swap3A_70 = vector.shape_cast %broadcast_in_dim3A_66 : vector<16xf32> to vector<16xf32>
    tpu.vector_store %arg9[%swap3A_67], %swap3A_70 {strides = array<i32>} : memref<512xf32, #tpu.memory_space<vmem>>, vector<16xf32>,
    %broadcast_in_dim3A_71 = arith.constant 0.000000e+00 : f32
    %broadcast_in_dim3A_72 = vector.broadcast %broadcast_in_dim3A_71 : f32 to vector<16xf32>
    %swap3A_73 = arith.constant 64 : index
    %swap3A_74 = tpu.vector_load %arg9[%swap3A_73] {strides = array<i32>} : memref<512xf32, #tpu.memory_space<vmem>>, vector<16xf32>,
    %swap3A_75 = vector.shape_cast %swap3A_74 : vector<16xf32> to vector<16xf32>
    %swap3A_76 = vector.shape_cast %broadcast_in_dim3A_72 : vector<16xf32> to vector<16xf32>
    tpu.vector_store %arg9[%swap3A_73], %swap3A_76 {strides = array<i32>} : memref<512xf32, #tpu.memory_space<vmem>>, vector<16xf32>,
    %broadcast_in_dim3A_77 = arith.constant 0.000000e+00 : f32
    %broadcast_in_dim3A_78 = vector.broadcast %broadcast_in_dim3A_77 : f32 to vector<16xf32>
    %swap3A_79 = arith.constant 80 : index
    %swap3A_80 = tpu.vector_load %arg9[%swap3A_79] {strides = array<i32>} : memref<512xf32, #tpu.memory_space<vmem>>, vector<16xf32>,
    %swap3A_81 = vector.shape_cast %swap3A_80 : vector<16xf32> to vector<16xf32>
    %swap3A_82 = vector.shape_cast %broadcast_in_dim3A_78 : vector<16xf32> to vector<16xf32>
    tpu.vector_store %arg9[%swap3A_79], %swap3A_82 {strides = array<i32>} : memref<512xf32, #tpu.memory_space<vmem>>, vector<16xf32>,
    %broadcast_in_dim3A_83 = arith.constant 0.000000e+00 : f32
    %broadcast_in_dim3A_84 = vector.broadcast %broadcast_in_dim3A_83 : f32 to vector<16xf32>
    %swap3A_85 = arith.constant 96 : index
    %swap3A_86 = tpu.vector_load %arg9[%swap3A_85] {strides = array<i32>} : memref<512xf32, #tpu.memory_space<vmem>>, vector<16xf32>,
    %swap3A_87 = vector.shape_cast %swap3A_86 : vector<16xf32> to vector<16xf32>
    %swap3A_88 = vector.shape_cast %broadcast_in_dim3A_84 : vector<16xf32> to vector<16xf32>
    tpu.vector_store %arg9[%swap3A_85], %swap3A_88 {strides = array<i32>} : memref<512xf32, #tpu.memory_space<vmem>>, vector<16xf32>,
    %broadcast_in_dim3A_89 = arith.constant 0.000000e+00 : f32
    %broadcast_in_dim3A_90 = vector.broadcast %broadcast_in_dim3A_89 : f32 to vector<16xf32>
    %swap3A_91 = arith.constant 112 : index
    %swap3A_92 = tpu.vector_load %arg9[%swap3A_91] {strides = array<i32>} : memref<512xf32, #tpu.memory_space<vmem>>, vector<16xf32>,
    %swap3A_93 = vector.shape_cast %swap3A_92 : vector<16xf32> to vector<16xf32>
    %swap3A_94 = vector.shape_cast %broadcast_in_dim3A_90 : vector<16xf32> to vector<16xf32>
    tpu.vector_store %arg9[%swap3A_91], %swap3A_94 {strides = array<i32>} : memref<512xf32, #tpu.memory_space<vmem>>, vector<16xf32>,
    %broadcast_in_dim3A_95 = arith.constant 0.000000e+00 : f32
    %broadcast_in_dim3A_96 = vector.broadcast %broadcast_in_dim3A_95 : f32 to vector<16xf32>
    %swap3A_97 = arith.constant 128 : index
    %swap3A_98 = tpu.vector_load %arg9[%swap3A_97] {strides = array<i32>} : memref<512xf32, #tpu.memory_space<vmem>>, vector<16xf32>,
    %swap3A_99 = vector.shape_cast %swap3A_98 : vector<16xf32> to vector<16xf32>
    %swap3A_100 = vector.shape_cast %broadcast_in_dim3A_96 : vector<16xf32> to vector<16xf32>
    tpu.vector_store %arg9[%swap3A_97], %swap3A_100 {strides = array<i32>} : memref<512xf32, #tpu.memory_space<vmem>>, vector<16xf32>,
    %broadcast_in_dim3A_101 = arith.constant 0.000000e+00 : f32
    %broadcast_in_dim3A_102 = vector.broadcast %broadcast_in_dim3A_101 : f32 to vector<16xf32>
    %swap3A_103 = arith.constant 144 : index
    %swap3A_104 = tpu.vector_load %arg9[%swap3A_103] {strides = array<i32>} : memref<512xf32, #tpu.memory_space<vmem>>, vector<16xf32>,
    %swap3A_105 = vector.shape_cast %swap3A_104 : vector<16xf32> to vector<16xf32>
    %swap3A_106 = vector.shape_cast %broadcast_in_dim3A_102 : vector<16xf32> to vector<16xf32>
    tpu.vector_store %arg9[%swap3A_103], %swap3A_106 {strides = array<i32>} : memref<512xf32, #tpu.memory_space<vmem>>, vector<16xf32>,
    %broadcast_in_dim3A_107 = arith.constant 0.000000e+00 : f32
    %broadcast_in_dim3A_108 = vector.broadcast %broadcast_in_dim3A_107 : f32 to vector<16xf32>
    %swap3A_109 = arith.constant 160 : index
    %swap3A_110 = tpu.vector_load %arg9[%swap3A_109] {strides = array<i32>} : memref<512xf32, #tpu.memory_space<vmem>>, vector<16xf32>,
    %swap3A_111 = vector.shape_cast %swap3A_110 : vector<16xf32> to vector<16xf32>
    %swap3A_112 = vector.shape_cast %broadcast_in_dim3A_108 : vector<16xf32> to vector<16xf32>
    tpu.vector_store %arg9[%swap3A_109], %swap3A_112 {strides = array<i32>} : memref<512xf32, #tpu.memory_space<vmem>>, vector<16xf32>,
    %broadcast_in_dim3A_113 = arith.constant 0.000000e+00 : f32
    %broadcast_in_dim3A_114 = vector.broadcast %broadcast_in_dim3A_113 : f32 to vector<16xf32>
    %swap3A_115 = arith.constant 176 : index
    %swap3A_116 = tpu.vector_load %arg9[%swap3A_115] {strides = array<i32>} : memref<512xf32, #tpu.memory_space<vmem>>, vector<16xf32>,
    %swap3A_117 = vector.shape_cast %swap3A_116 : vector<16xf32> to vector<16xf32>
    %swap3A_118 = vector.shape_cast %broadcast_in_dim3A_114 : vector<16xf32> to vector<16xf32>
    tpu.vector_store %arg9[%swap3A_115], %swap3A_118 {strides = array<i32>} : memref<512xf32, #tpu.memory_space<vmem>>, vector<16xf32>,
    %broadcast_in_dim3A_119 = arith.constant 0.000000e+00 : f32
    %broadcast_in_dim3A_120 = vector.broadcast %broadcast_in_dim3A_119 : f32 to vector<16xf32>
    %swap3A_121 = arith.constant 192 : index
    %swap3A_122 = tpu.vector_load %arg9[%swap3A_121] {strides = array<i32>} : memref<512xf32, #tpu.memory_space<vmem>>, vector<16xf32>,
    %swap3A_123 = vector.shape_cast %swap3A_122 : vector<16xf32> to vector<16xf32>
    %swap3A_124 = vector.shape_cast %broadcast_in_dim3A_120 : vector<16xf32> to vector<16xf32>
    tpu.vector_store %arg9[%swap3A_121], %swap3A_124 {strides = array<i32>} : memref<512xf32, #tpu.memory_space<vmem>>, vector<16xf32>,
    %broadcast_in_dim3A_125 = arith.constant 0.000000e+00 : f32
    %broadcast_in_dim3A_126 = vector.broadcast %broadcast_in_dim3A_125 : f32 to vector<16xf32>
    %swap3A_127 = arith.constant 208 : index
    %swap3A_128 = tpu.vector_load %arg9[%swap3A_127] {strides = array<i32>} : memref<512xf32, #tpu.memory_space<vmem>>, vector<16xf32>,
    %swap3A_129 = vector.shape_cast %swap3A_128 : vector<16xf32> to vector<16xf32>
    %swap3A_130 = vector.shape_cast %broadcast_in_dim3A_126 : vector<16xf32> to vector<16xf32>
    tpu.vector_store %arg9[%swap3A_127], %swap3A_130 {strides = array<i32>} : memref<512xf32, #tpu.memory_space<vmem>>, vector<16xf32>,
    %broadcast_in_dim3A_131 = arith.constant 0.000000e+00 : f32
    %broadcast_in_dim3A_132 = vector.broadcast %broadcast_in_dim3A_131 : f32 to vector<16xf32>
    %swap3A_133 = arith.constant 224 : index
    %swap3A_134 = tpu.vector_load %arg9[%swap3A_133] {strides = array<i32>} : memref<512xf32, #tpu.memory_space<vmem>>, vector<16xf32>,
    %swap3A_135 = vector.shape_cast %swap3A_134 : vector<16xf32> to vector<16xf32>
    %swap3A_136 = vector.shape_cast %broadcast_in_dim3A_132 : vector<16xf32> to vector<16xf32>
    tpu.vector_store %arg9[%swap3A_133], %swap3A_136 {strides = array<i32>} : memref<512xf32, #tpu.memory_space<vmem>>, vector<16xf32>,
    %broadcast_in_dim3A_137 = arith.constant 0.000000e+00 : f32
    %broadcast_in_dim3A_138 = vector.broadcast %broadcast_in_dim3A_137 : f32 to vector<16xf32>
    %swap3A_139 = arith.constant 240 : index
    %swap3A_140 = tpu.vector_load %arg9[%swap3A_139] {strides = array<i32>} : memref<512xf32, #tpu.memory_space<vmem>>, vector<16xf32>,
    %swap3A_141 = vector.shape_cast %swap3A_140 : vector<16xf32> to vector<16xf32>
    %swap3A_142 = vector.shape_cast %broadcast_in_dim3A_138 : vector<16xf32> to vector<16xf32>
    tpu.vector_store %arg9[%swap3A_139], %swap3A_142 {strides = array<i32>} : memref<512xf32, #tpu.memory_space<vmem>>, vector<16xf32>,
    %broadcast_in_dim3A_143 = arith.constant 0.000000e+00 : f32
    %broadcast_in_dim3A_144 = vector.broadcast %broadcast_in_dim3A_143 : f32 to vector<16xf32>
    %swap3A_145 = arith.constant 256 : index
    %swap3A_146 = tpu.vector_load %arg9[%swap3A_145] {strides = array<i32>} : memref<512xf32, #tpu.memory_space<vmem>>, vector<16xf32>,
    %swap3A_147 = vector.shape_cast %swap3A_146 : vector<16xf32> to vector<16xf32>
    %swap3A_148 = vector.shape_cast %broadcast_in_dim3A_144 : vector<16xf32> to vector<16xf32>
    tpu.vector_store %arg9[%swap3A_145], %swap3A_148 {strides = array<i32>} : memref<512xf32, #tpu.memory_space<vmem>>, vector<16xf32>,
    %broadcast_in_dim3A_149 = arith.constant 0.000000e+00 : f32
    %broadcast_in_dim3A_150 = vector.broadcast %broadcast_in_dim3A_149 : f32 to vector<16xf32>
    %swap3A_151 = arith.constant 272 : index
    %swap3A_152 = tpu.vector_load %arg9[%swap3A_151] {strides = array<i32>} : memref<512xf32, #tpu.memory_space<vmem>>, vector<16xf32>,
    %swap3A_153 = vector.shape_cast %swap3A_152 : vector<16xf32> to vector<16xf32>
    %swap3A_154 = vector.shape_cast %broadcast_in_dim3A_150 : vector<16xf32> to vector<16xf32>
    tpu.vector_store %arg9[%swap3A_151], %swap3A_154 {strides = array<i32>} : memref<512xf32, #tpu.memory_space<vmem>>, vector<16xf32>,
    %broadcast_in_dim3A_155 = arith.constant 0.000000e+00 : f32
    %broadcast_in_dim3A_156 = vector.broadcast %broadcast_in_dim3A_155 : f32 to vector<16xf32>
    %swap3A_157 = arith.constant 288 : index
    %swap3A_158 = tpu.vector_load %arg9[%swap3A_157] {strides = array<i32>} : memref<512xf32, #tpu.memory_space<vmem>>, vector<16xf32>,
    %swap3A_159 = vector.shape_cast %swap3A_158 : vector<16xf32> to vector<16xf32>
    %swap3A_160 = vector.shape_cast %broadcast_in_dim3A_156 : vector<16xf32> to vector<16xf32>
    tpu.vector_store %arg9[%swap3A_157], %swap3A_160 {strides = array<i32>} : memref<512xf32, #tpu.memory_space<vmem>>, vector<16xf32>,
    %broadcast_in_dim3A_161 = arith.constant 0.000000e+00 : f32
    %broadcast_in_dim3A_162 = vector.broadcast %broadcast_in_dim3A_161 : f32 to vector<16xf32>
    %swap3A_163 = arith.constant 304 : index
    %swap3A_164 = tpu.vector_load %arg9[%swap3A_163] {strides = array<i32>} : memref<512xf32, #tpu.memory_space<vmem>>, vector<16xf32>,
    %swap3A_165 = vector.shape_cast %swap3A_164 : vector<16xf32> to vector<16xf32>
    %swap3A_166 = vector.shape_cast %broadcast_in_dim3A_162 : vector<16xf32> to vector<16xf32>
    tpu.vector_store %arg9[%swap3A_163], %swap3A_166 {strides = array<i32>} : memref<512xf32, #tpu.memory_space<vmem>>, vector<16xf32>,
    %broadcast_in_dim3A_167 = arith.constant 0.000000e+00 : f32
    %broadcast_in_dim3A_168 = vector.broadcast %broadcast_in_dim3A_167 : f32 to vector<16xf32>
    %swap3A_169 = arith.constant 320 : index
    %swap3A_170 = tpu.vector_load %arg9[%swap3A_169] {strides = array<i32>} : memref<512xf32, #tpu.memory_space<vmem>>, vector<16xf32>,
    %swap3A_171 = vector.shape_cast %swap3A_170 : vector<16xf32> to vector<16xf32>
    %swap3A_172 = vector.shape_cast %broadcast_in_dim3A_168 : vector<16xf32> to vector<16xf32>
    tpu.vector_store %arg9[%swap3A_169], %swap3A_172 {strides = array<i32>} : memref<512xf32, #tpu.memory_space<vmem>>, vector<16xf32>,
    %broadcast_in_dim3A_173 = arith.constant 0.000000e+00 : f32
    %broadcast_in_dim3A_174 = vector.broadcast %broadcast_in_dim3A_173 : f32 to vector<16xf32>
    %swap3A_175 = arith.constant 336 : index
    %swap3A_176 = tpu.vector_load %arg9[%swap3A_175] {strides = array<i32>} : memref<512xf32, #tpu.memory_space<vmem>>, vector<16xf32>,
    %swap3A_177 = vector.shape_cast %swap3A_176 : vector<16xf32> to vector<16xf32>
    %swap3A_178 = vector.shape_cast %broadcast_in_dim3A_174 : vector<16xf32> to vector<16xf32>
    tpu.vector_store %arg9[%swap3A_175], %swap3A_178 {strides = array<i32>} : memref<512xf32, #tpu.memory_space<vmem>>, vector<16xf32>,
    %broadcast_in_dim3A_179 = arith.constant 0.000000e+00 : f32
    %broadcast_in_dim3A_180 = vector.broadcast %broadcast_in_dim3A_179 : f32 to vector<16xf32>
    %swap3A_181 = arith.constant 352 : index
    %swap3A_182 = tpu.vector_load %arg9[%swap3A_181] {strides = array<i32>} : memref<512xf32, #tpu.memory_space<vmem>>, vector<16xf32>,
    %swap3A_183 = vector.shape_cast %swap3A_182 : vector<16xf32> to vector<16xf32>
    %swap3A_184 = vector.shape_cast %broadcast_in_dim3A_180 : vector<16xf32> to vector<16xf32>
    tpu.vector_store %arg9[%swap3A_181], %swap3A_184 {strides = array<i32>} : memref<512xf32, #tpu.memory_space<vmem>>, vector<16xf32>,
    %broadcast_in_dim3A_185 = arith.constant 0.000000e+00 : f32
    %broadcast_in_dim3A_186 = vector.broadcast %broadcast_in_dim3A_185 : f32 to vector<16xf32>
    %swap3A_187 = arith.constant 368 : index
    %swap3A_188 = tpu.vector_load %arg9[%swap3A_187] {strides = array<i32>} : memref<512xf32, #tpu.memory_space<vmem>>, vector<16xf32>,
    %swap3A_189 = vector.shape_cast %swap3A_188 : vector<16xf32> to vector<16xf32>
    %swap3A_190 = vector.shape_cast %broadcast_in_dim3A_186 : vector<16xf32> to vector<16xf32>
    tpu.vector_store %arg9[%swap3A_187], %swap3A_190 {strides = array<i32>} : memref<512xf32, #tpu.memory_space<vmem>>, vector<16xf32>,
    %broadcast_in_dim3A_191 = arith.constant 0.000000e+00 : f32
    %broadcast_in_dim3A_192 = vector.broadcast %broadcast_in_dim3A_191 : f32 to vector<16xf32>
    %swap3A_193 = arith.constant 384 : index
    %swap3A_194 = tpu.vector_load %arg9[%swap3A_193] {strides = array<i32>} : memref<512xf32, #tpu.memory_space<vmem>>, vector<16xf32>,
    %swap3A_195 = vector.shape_cast %swap3A_194 : vector<16xf32> to vector<16xf32>
    %swap3A_196 = vector.shape_cast %broadcast_in_dim3A_192 : vector<16xf32> to vector<16xf32>
    tpu.vector_store %arg9[%swap3A_193], %swap3A_196 {strides = array<i32>} : memref<512xf32, #tpu.memory_space<vmem>>, vector<16xf32>,
    %broadcast_in_dim3A_197 = arith.constant 0.000000e+00 : f32
    %broadcast_in_dim3A_198 = vector.broadcast %broadcast_in_dim3A_197 : f32 to vector<16xf32>
    %swap3A_199 = arith.constant 400 : index
    %swap3A_200 = tpu.vector_load %arg9[%swap3A_199] {strides = array<i32>} : memref<512xf32, #tpu.memory_space<vmem>>, vector<16xf32>,
    %swap3A_201 = vector.shape_cast %swap3A_200 : vector<16xf32> to vector<16xf32>
    %swap3A_202 = vector.shape_cast %broadcast_in_dim3A_198 : vector<16xf32> to vector<16xf32>
    tpu.vector_store %arg9[%swap3A_199], %swap3A_202 {strides = array<i32>} : memref<512xf32, #tpu.memory_space<vmem>>, vector<16xf32>,
    %broadcast_in_dim3A_203 = arith.constant 0.000000e+00 : f32
    %broadcast_in_dim3A_204 = vector.broadcast %broadcast_in_dim3A_203 : f32 to vector<16xf32>
    %swap3A_205 = arith.constant 416 : index
    %swap3A_206 = tpu.vector_load %arg9[%swap3A_205] {strides = array<i32>} : memref<512xf32, #tpu.memory_space<vmem>>, vector<16xf32>,
    %swap3A_207 = vector.shape_cast %swap3A_206 : vector<16xf32> to vector<16xf32>
    %swap3A_208 = vector.shape_cast %broadcast_in_dim3A_204 : vector<16xf32> to vector<16xf32>
    tpu.vector_store %arg9[%swap3A_205], %swap3A_208 {strides = array<i32>} : memref<512xf32, #tpu.memory_space<vmem>>, vector<16xf32>,
    %broadcast_in_dim3A_209 = arith.constant 0.000000e+00 : f32
    %broadcast_in_dim3A_210 = vector.broadcast %broadcast_in_dim3A_209 : f32 to vector<16xf32>
    %swap3A_211 = arith.constant 432 : index
    %swap3A_212 = tpu.vector_load %arg9[%swap3A_211] {strides = array<i32>} : memref<512xf32, #tpu.memory_space<vmem>>, vector<16xf32>,
    %swap3A_213 = vector.shape_cast %swap3A_212 : vector<16xf32> to vector<16xf32>
    %swap3A_214 = vector.shape_cast %broadcast_in_dim3A_210 : vector<16xf32> to vector<16xf32>
    tpu.vector_store %arg9[%swap3A_211], %swap3A_214 {strides = array<i32>} : memref<512xf32, #tpu.memory_space<vmem>>, vector<16xf32>,
    %broadcast_in_dim3A_215 = arith.constant 0.000000e+00 : f32
    %broadcast_in_dim3A_216 = vector.broadcast %broadcast_in_dim3A_215 : f32 to vector<16xf32>
    %swap3A_217 = arith.constant 448 : index
    %swap3A_218 = tpu.vector_load %arg9[%swap3A_217] {strides = array<i32>} : memref<512xf32, #tpu.memory_space<vmem>>, vector<16xf32>,
    %swap3A_219 = vector.shape_cast %swap3A_218 : vector<16xf32> to vector<16xf32>
    %swap3A_220 = vector.shape_cast %broadcast_in_dim3A_216 : vector<16xf32> to vector<16xf32>
    tpu.vector_store %arg9[%swap3A_217], %swap3A_220 {strides = array<i32>} : memref<512xf32, #tpu.memory_space<vmem>>, vector<16xf32>,
    %broadcast_in_dim3A_221 = arith.constant 0.000000e+00 : f32
    %broadcast_in_dim3A_222 = vector.broadcast %broadcast_in_dim3A_221 : f32 to vector<16xf32>
    %swap3A_223 = arith.constant 464 : index
    %swap3A_224 = tpu.vector_load %arg9[%swap3A_223] {strides = array<i32>} : memref<512xf32, #tpu.memory_space<vmem>>, vector<16xf32>,
    %swap3A_225 = vector.shape_cast %swap3A_224 : vector<16xf32> to vector<16xf32>
    %swap3A_226 = vector.shape_cast %broadcast_in_dim3A_222 : vector<16xf32> to vector<16xf32>
    tpu.vector_store %arg9[%swap3A_223], %swap3A_226 {strides = array<i32>} : memref<512xf32, #tpu.memory_space<vmem>>, vector<16xf32>,
    %broadcast_in_dim3A_227 = arith.constant 0.000000e+00 : f32
    %broadcast_in_dim3A_228 = vector.broadcast %broadcast_in_dim3A_227 : f32 to vector<16xf32>
    %swap3A_229 = arith.constant 480 : index
    %swap3A_230 = tpu.vector_load %arg9[%swap3A_229] {strides = array<i32>} : memref<512xf32, #tpu.memory_space<vmem>>, vector<16xf32>,
    %swap3A_231 = vector.shape_cast %swap3A_230 : vector<16xf32> to vector<16xf32>
    %swap3A_232 = vector.shape_cast %broadcast_in_dim3A_228 : vector<16xf32> to vector<16xf32>
    tpu.vector_store %arg9[%swap3A_229], %swap3A_232 {strides = array<i32>} : memref<512xf32, #tpu.memory_space<vmem>>, vector<16xf32>,
    %broadcast_in_dim3A_233 = arith.constant 0.000000e+00 : f32
    %broadcast_in_dim3A_234 = vector.broadcast %broadcast_in_dim3A_233 : f32 to vector<16xf32>
    %swap3A_235 = arith.constant 496 : index
    %swap3A_236 = tpu.vector_load %arg9[%swap3A_235] {strides = array<i32>} : memref<512xf32, #tpu.memory_space<vmem>>, vector<16xf32>,
    %swap3A_237 = vector.shape_cast %swap3A_236 : vector<16xf32> to vector<16xf32>
    %swap3A_238 = vector.shape_cast %broadcast_in_dim3A_234 : vector<16xf32> to vector<16xf32>
    tpu.vector_store %arg9[%swap3A_235], %swap3A_238 {strides = array<i32>} : memref<512xf32, #tpu.memory_space<vmem>>, vector<16xf32>,
    %mul3A_239 = arith.constant 512 : i32
    %mul3A_240 = arith.muli %arg1, %mul3A_239 : i32
    "tpu.region"() ({
      %run_scoped3A_287 = tpu.sem_alloc : memref<!tpu.dma_semaphore, #tpu.memory_space<semaphore_mem>>
      %dma_start3A_288 = tpu.memref_slice %arg10[%mul3A_240] : memref<8192xf32, #tpu.memory_space<vmem_shared>> -> memref<512xf32, #tpu.memory_space<vmem_shared>>
      %dma_start3A_289 = tpu.memref_slice %arg10[%mul3A_240] : memref<8192xf32, #tpu.memory_space<vmem_shared>> -> memref<512xf32, #tpu.memory_space<vmem_shared>>
      tpu.enqueue_dma source(%arg9 : memref<512xf32, #tpu.memory_space<vmem>>) target(%dma_start3A_289 : memref<512xf32, #tpu.memory_space<vmem_shared>>) target_semaphore(%run_scoped3A_287 : memref<!tpu.dma_semaphore, #tpu.memory_space<semaphore_mem>>)
      %dma_wait3A_290 = tpu.memref_slice %arg10[%mul3A_240] : memref<8192xf32, #tpu.memory_space<vmem_shared>> -> memref<512xf32, #tpu.memory_space<vmem_shared>>
      %dma_wait3A_291 = tpu.memref_slice %arg10[%mul3A_240] : memref<8192xf32, #tpu.memory_space<vmem_shared>> -> memref<512xf32, #tpu.memory_space<vmem_shared>>
      tpu.wait_dma2 semaphore(%run_scoped3A_287 : memref<!tpu.dma_semaphore, #tpu.memory_space<semaphore_mem>>) src(%arg9 : memref<512xf32, #tpu.memory_space<vmem>>) dst(%dma_wait3A_291 : memref<512xf32, #tpu.memory_space<vmem_shared>>)
      tpu.yield
    }) : () -> ()
    %mul3A_241 = arith.constant 2 : i32
    %mul3A_242 = arith.muli %add3A, %mul3A_241 : i32
    "tpu.region"() ({
      %run_scoped3A_287 = tpu.sem_alloc : memref<!tpu.dma_semaphore, #tpu.memory_space<semaphore_mem>>
      %dma_start3A_288 = arith.constant 0 : i32
      %dma_start3A_289 = tpu.memref_slice %arg3[%mul3A_242, %dma_start3A_288] : memref<64x128xi32, #tpu.memory_space<hbm>> -> memref<2x128xi32, #tpu.memory_space<hbm>>
      %dma_start3A_290 = arith.constant 0 : i32
      %dma_start3A_291 = tpu.memref_slice %arg3[%mul3A_242, %dma_start3A_290] : memref<64x128xi32, #tpu.memory_space<hbm>> -> memref<2x128xi32, #tpu.memory_space<hbm>>
      tpu.enqueue_dma source(%dma_start3A_291 : memref<2x128xi32, #tpu.memory_space<hbm>>) target(%arg6 : memref<2x128xi32, #tpu.memory_space<vmem>>) target_semaphore(%run_scoped3A_287 : memref<!tpu.dma_semaphore, #tpu.memory_space<semaphore_mem>>)
      %dma_wait3A_292 = arith.constant 0 : i32
      %dma_wait3A_293 = tpu.memref_slice %arg3[%mul3A_242, %dma_wait3A_292] : memref<64x128xi32, #tpu.memory_space<hbm>> -> memref<2x128xi32, #tpu.memory_space<hbm>>
      %dma_wait3A_294 = arith.constant 0 : i32
      %dma_wait3A_295 = tpu.memref_slice %arg3[%mul3A_242, %dma_wait3A_294] : memref<64x128xi32, #tpu.memory_space<hbm>> -> memref<2x128xi32, #tpu.memory_space<hbm>>
      tpu.wait_dma2 semaphore(%run_scoped3A_287 : memref<!tpu.dma_semaphore, #tpu.memory_space<semaphore_mem>>) src(%dma_wait3A_295 : memref<2x128xi32, #tpu.memory_space<hbm>>) dst(%arg6 : memref<2x128xi32, #tpu.memory_space<vmem>>)
      tpu.yield
    }) : () -> ()
    %dma_start3A = arith.constant 0 : i32
    %dma_start3A_243 = arith.constant 0 : i32
    %dma_start3A_244 = arith.constant 0 : i32
    %dma_start3A_245 = tpu.memref_slice %arg7[%dma_start3A_243, %dma_start3A_244] : memref<256x32xf32, #tpu.memory_space<vmem>> -> memref<128x32xf32, #tpu.memory_space<vmem>>
    %dma_start3A_246 = arith.constant 0 : i32
    %dma_start3A_247 = tpu.memref_slice %arg6[%dma_start3A, %dma_start3A_246] : memref<2x128xi32, #tpu.memory_space<vmem>> -> memref<1x128xi32, #tpu.memory_space<vmem>>
    %dma_start3A_248 = tpu.memref_squeeze %dma_start3A_247 : memref<1x128xi32, #tpu.memory_space<vmem>> -> memref<128xi32, #tpu.memory_space<vmem>>
    %dma_start3A_249 = arith.constant 0 : i32
    %dma_start3A_250 = arith.constant 0 : i32
    %dma_start3A_251 = tpu.memref_slice %arg2[%dma_start3A_249, %dma_start3A_250] : memref<8192x32xf32, #tpu.memory_space<hbm>> -> memref<8192x32xf32, #tpu.memory_space<hbm>>
    tpu.enqueue_indirect_dma source(%dma_start3A_251 : memref<8192x32xf32, #tpu.memory_space<hbm>>) target(%dma_start3A_245 : memref<128x32xf32, #tpu.memory_space<vmem>>) offsets(%dma_start3A_248 : memref<128xi32, #tpu.memory_space<vmem>>) semaphore(%arg11 : memref<!tpu.dma_semaphore, #tpu.memory_space<semaphore_mem>>)
    %dma_start3A_252 = arith.constant 1 : i32
    %dma_start3A_253 = arith.constant 128 : i32
    %dma_start3A_254 = arith.constant 0 : i32
    %dma_start3A_255 = tpu.memref_slice %arg7[%dma_start3A_253, %dma_start3A_254] : memref<256x32xf32, #tpu.memory_space<vmem>> -> memref<128x32xf32, #tpu.memory_space<vmem>>
    %dma_start3A_256 = arith.constant 0 : i32
    %dma_start3A_257 = tpu.memref_slice %arg6[%dma_start3A_252, %dma_start3A_256] : memref<2x128xi32, #tpu.memory_space<vmem>> -> memref<1x128xi32, #tpu.memory_space<vmem>>
    %dma_start3A_258 = tpu.memref_squeeze %dma_start3A_257 : memref<1x128xi32, #tpu.memory_space<vmem>> -> memref<128xi32, #tpu.memory_space<vmem>>
    %dma_start3A_259 = arith.constant 0 : i32
    %dma_start3A_260 = arith.constant 0 : i32
    %dma_start3A_261 = tpu.memref_slice %arg2[%dma_start3A_259, %dma_start3A_260] : memref<8192x32xf32, #tpu.memory_space<hbm>> -> memref<8192x32xf32, #tpu.memory_space<hbm>>
    tpu.enqueue_indirect_dma source(%dma_start3A_261 : memref<8192x32xf32, #tpu.memory_space<hbm>>) target(%dma_start3A_255 : memref<128x32xf32, #tpu.memory_space<vmem>>) offsets(%dma_start3A_258 : memref<128xi32, #tpu.memory_space<vmem>>) semaphore(%arg11 : memref<!tpu.dma_semaphore, #tpu.memory_space<semaphore_mem>>)
    %dma_wait3A = arith.constant 0 : i32
    %dma_wait3A_262 = arith.constant 0 : i32
    %dma_wait3A_263 = arith.constant 0 : i32
    %dma_wait3A_264 = tpu.memref_slice %arg7[%dma_wait3A_262, %dma_wait3A_263] : memref<256x32xf32, #tpu.memory_space<vmem>> -> memref<128x32xf32, #tpu.memory_space<vmem>>
    %dma_wait3A_265 = arith.constant 0 : i32
    %dma_wait3A_266 = tpu.memref_slice %arg6[%dma_wait3A, %dma_wait3A_265] : memref<2x128xi32, #tpu.memory_space<vmem>> -> memref<1x128xi32, #tpu.memory_space<vmem>>
    %dma_wait3A_267 = tpu.memref_squeeze %dma_wait3A_266 : memref<1x128xi32, #tpu.memory_space<vmem>> -> memref<128xi32, #tpu.memory_space<vmem>>
    %dma_wait3A_268 = arith.constant 0 : i32
    %dma_wait3A_269 = arith.constant 0 : i32
    %dma_wait3A_270 = tpu.memref_slice %arg2[%dma_wait3A_268, %dma_wait3A_269] : memref<8192x32xf32, #tpu.memory_space<hbm>> -> memref<8192x32xf32, #tpu.memory_space<hbm>>
    tpu.wait_indirect_dma semaphore(%arg11 : memref<!tpu.dma_semaphore, #tpu.memory_space<semaphore_mem>>) src(%dma_wait3A_270 : memref<8192x32xf32, #tpu.memory_space<hbm>>) dst(%dma_wait3A_264 : memref<128x32xf32, #tpu.memory_space<vmem>>)
    %dma_wait3A_271 = arith.constant 1 : i32
    %dma_wait3A_272 = arith.constant 128 : i32
    %dma_wait3A_273 = arith.constant 0 : i32
    %dma_wait3A_274 = tpu.memref_slice %arg7[%dma_wait3A_272, %dma_wait3A_273] : memref<256x32xf32, #tpu.memory_space<vmem>> -> memref<128x32xf32, #tpu.memory_space<vmem>>
    %dma_wait3A_275 = arith.constant 0 : i32
    %dma_wait3A_276 = tpu.memref_slice %arg6[%dma_wait3A_271, %dma_wait3A_275] : memref<2x128xi32, #tpu.memory_space<vmem>> -> memref<1x128xi32, #tpu.memory_space<vmem>>
    %dma_wait3A_277 = tpu.memref_squeeze %dma_wait3A_276 : memref<1x128xi32, #tpu.memory_space<vmem>> -> memref<128xi32, #tpu.memory_space<vmem>>
    %dma_wait3A_278 = arith.constant 0 : i32
    %dma_wait3A_279 = arith.constant 0 : i32
    %dma_wait3A_280 = tpu.memref_slice %arg2[%dma_wait3A_278, %dma_wait3A_279] : memref<8192x32xf32, #tpu.memory_space<hbm>> -> memref<8192x32xf32, #tpu.memory_space<hbm>>
    tpu.wait_indirect_dma semaphore(%arg11 : memref<!tpu.dma_semaphore, #tpu.memory_space<semaphore_mem>>) src(%dma_wait3A_280 : memref<8192x32xf32, #tpu.memory_space<hbm>>) dst(%dma_wait3A_274 : memref<128x32xf32, #tpu.memory_space<vmem>>)
    %mul3A_281 = arith.constant 256 : i32
    %mul3A_282 = arith.muli %add3A, %mul3A_281 : i32
    "tpu.region"() ({
      %run_scoped3A_287 = tpu.sem_alloc : memref<!tpu.dma_semaphore, #tpu.memory_space<semaphore_mem>>
      %dma_start3A_288 = arith.constant 0 : i32
      %dma_start3A_289 = tpu.memref_slice %arg4[%mul3A_282, %dma_start3A_288] : memref<8192x32xf32, #tpu.memory_space<hbm>> -> memref<256x32xf32, #tpu.memory_space<hbm>>
      %dma_start3A_290 = arith.constant 0 : i32
      %dma_start3A_291 = tpu.memref_slice %arg4[%mul3A_282, %dma_start3A_290] : memref<8192x32xf32, #tpu.memory_space<hbm>> -> memref<256x32xf32, #tpu.memory_space<hbm>>
      tpu.enqueue_dma source(%arg7 : memref<256x32xf32, #tpu.memory_space<vmem>>) target(%dma_start3A_291 : memref<256x32xf32, #tpu.memory_space<hbm>>) target_semaphore(%run_scoped3A_287 : memref<!tpu.dma_semaphore, #tpu.memory_space<semaphore_mem>>)
      %dma_wait3A_292 = arith.constant 0 : i32
      %dma_wait3A_293 = tpu.memref_slice %arg4[%mul3A_282, %dma_wait3A_292] : memref<8192x32xf32, #tpu.memory_space<hbm>> -> memref<256x32xf32, #tpu.memory_space<hbm>>
      %dma_wait3A_294 = arith.constant 0 : i32
      %dma_wait3A_295 = tpu.memref_slice %arg4[%mul3A_282, %dma_wait3A_294] : memref<8192x32xf32, #tpu.memory_space<hbm>> -> memref<256x32xf32, #tpu.memory_space<hbm>>
      tpu.wait_dma2 semaphore(%run_scoped3A_287 : memref<!tpu.dma_semaphore, #tpu.memory_space<semaphore_mem>>) src(%arg7 : memref<256x32xf32, #tpu.memory_space<vmem>>) dst(%dma_wait3A_295 : memref<256x32xf32, #tpu.memory_space<hbm>>)
      tpu.yield
    }) : () -> ()
    %barrier3A = arith.constant 0 : index
    tpu.barrier barrier_id(%barrier3A)
    %run_scoped3A = arith.constant 0 : i32
    "tpu.region"() ({
      %run_scoped3A_287 = tpu.sem_alloc : memref<!tpu.dma_semaphore, #tpu.memory_space<semaphore_mem>>
      %dma_start3A_288 = arith.constant 0 : i32
      %dma_start3A_289 = tpu.memref_slice %arg6[%run_scoped3A, %dma_start3A_288] : memref<2x128xi32, #tpu.memory_space<vmem>> -> memref<1x128xi32, #tpu.memory_space<vmem>>
      %dma_start3A_290 = tpu.memref_squeeze %dma_start3A_289 : memref<1x128xi32, #tpu.memory_space<vmem>> -> memref<128xi32, #tpu.memory_space<vmem>>
      %dma_start3A_291 = arith.constant 0 : i32
      %dma_start3A_292 = tpu.memref_slice %arg10[%dma_start3A_291] : memref<8192xf32, #tpu.memory_space<vmem_shared>> -> memref<8192xf32, #tpu.memory_space<vmem_shared>>
      tpu.enqueue_indirect_dma source(%arg8 : memref<128xf32, #tpu.memory_space<vmem>>) target(%dma_start3A_292 : memref<8192xf32, #tpu.memory_space<vmem_shared>>) offsets(%dma_start3A_290 : memref<128xi32, #tpu.memory_space<vmem>>) semaphore(%run_scoped3A_287 : memref<!tpu.dma_semaphore, #tpu.memory_space<semaphore_mem>>) {add = true}
      %dma_wait3A_293 = arith.constant 0 : i32
      %dma_wait3A_294 = tpu.memref_slice %arg6[%run_scoped3A, %dma_wait3A_293] : memref<2x128xi32, #tpu.memory_space<vmem>> -> memref<1x128xi32, #tpu.memory_space<vmem>>
      %dma_wait3A_295 = tpu.memref_squeeze %dma_wait3A_294 : memref<1x128xi32, #tpu.memory_space<vmem>> -> memref<128xi32, #tpu.memory_space<vmem>>
      %dma_wait3A_296 = arith.constant 0 : i32
      %dma_wait3A_297 = tpu.memref_slice %arg10[%dma_wait3A_296] : memref<8192xf32, #tpu.memory_space<vmem_shared>> -> memref<8192xf32, #tpu.memory_space<vmem_shared>>
      tpu.wait_indirect_dma semaphore(%run_scoped3A_287 : memref<!tpu.dma_semaphore, #tpu.memory_space<semaphore_mem>>) src(%arg8 : memref<128xf32, #tpu.memory_space<vmem>>) dst(%dma_wait3A_297 : memref<8192xf32, #tpu.memory_space<vmem_shared>>)
      tpu.yield
    }) : () -> ()
    %run_scoped3A_283 = arith.constant 1 : i32
    "tpu.region"() ({
      %run_scoped3A_287 = tpu.sem_alloc : memref<!tpu.dma_semaphore, #tpu.memory_space<semaphore_mem>>
      %dma_start3A_288 = arith.constant 0 : i32
      %dma_start3A_289 = tpu.memref_slice %arg6[%run_scoped3A_283, %dma_start3A_288] : memref<2x128xi32, #tpu.memory_space<vmem>> -> memref<1x128xi32, #tpu.memory_space<vmem>>
      %dma_start3A_290 = tpu.memref_squeeze %dma_start3A_289 : memref<1x128xi32, #tpu.memory_space<vmem>> -> memref<128xi32, #tpu.memory_space<vmem>>
      %dma_start3A_291 = arith.constant 0 : i32
      %dma_start3A_292 = tpu.memref_slice %arg10[%dma_start3A_291] : memref<8192xf32, #tpu.memory_space<vmem_shared>> -> memref<8192xf32, #tpu.memory_space<vmem_shared>>
      tpu.enqueue_indirect_dma source(%arg8 : memref<128xf32, #tpu.memory_space<vmem>>) target(%dma_start3A_292 : memref<8192xf32, #tpu.memory_space<vmem_shared>>) offsets(%dma_start3A_290 : memref<128xi32, #tpu.memory_space<vmem>>) semaphore(%run_scoped3A_287 : memref<!tpu.dma_semaphore, #tpu.memory_space<semaphore_mem>>) {add = true}
      %dma_wait3A_293 = arith.constant 0 : i32
      %dma_wait3A_294 = tpu.memref_slice %arg6[%run_scoped3A_283, %dma_wait3A_293] : memref<2x128xi32, #tpu.memory_space<vmem>> -> memref<1x128xi32, #tpu.memory_space<vmem>>
      %dma_wait3A_295 = tpu.memref_squeeze %dma_wait3A_294 : memref<1x128xi32, #tpu.memory_space<vmem>> -> memref<128xi32, #tpu.memory_space<vmem>>
      %dma_wait3A_296 = arith.constant 0 : i32
      %dma_wait3A_297 = tpu.memref_slice %arg10[%dma_wait3A_296] : memref<8192xf32, #tpu.memory_space<vmem_shared>> -> memref<8192xf32, #tpu.memory_space<vmem_shared>>
      tpu.wait_indirect_dma semaphore(%run_scoped3A_287 : memref<!tpu.dma_semaphore, #tpu.memory_space<semaphore_mem>>) src(%arg8 : memref<128xf32, #tpu.memory_space<vmem>>) dst(%dma_wait3A_297 : memref<8192xf32, #tpu.memory_space<vmem_shared>>)
      tpu.yield
    }) : () -> ()
    %barrier3A_284 = arith.constant 0 : index
    tpu.barrier barrier_id(%barrier3A_284)
    %eq3A = arith.constant 0 : i32
    %eq3A_285 = arith.cmpi eq, %arg1, %eq3A : i32
    %convert_element_type3A = arith.extui %eq3A_285 : i1 to i32
    %cond3A = arith.constant 0 : i32
    %cond3A_286 = arith.cmpi ne, %convert_element_type3A, %cond3A : i32
    scf.if %cond3A_286 {
      "tpu.region"() ({
        %run_scoped3A_287 = tpu.sem_alloc : memref<!tpu.dma_semaphore, #tpu.memory_space<semaphore_mem>>
        %dma_start3A_288 = arith.constant 0 : i32
        %dma_start3A_289 = tpu.memref_slice %arg5[%arg0, %dma_start3A_288] : memref<2x8192xf32, #tpu.memory_space<hbm>> -> memref<1x8192xf32, #tpu.memory_space<hbm>>
        %dma_start3A_290 = tpu.memref_squeeze %dma_start3A_289 : memref<1x8192xf32, #tpu.memory_space<hbm>> -> memref<8192xf32, #tpu.memory_space<hbm>>
        tpu.enqueue_dma source(%arg10 : memref<8192xf32, #tpu.memory_space<vmem_shared>>) target(%dma_start3A_290 : memref<8192xf32, #tpu.memory_space<hbm>>) target_semaphore(%run_scoped3A_287 : memref<!tpu.dma_semaphore, #tpu.memory_space<semaphore_mem>>)
        %dma_wait3A_291 = arith.constant 0 : i32
        %dma_wait3A_292 = tpu.memref_slice %arg5[%arg0, %dma_wait3A_291] : memref<2x8192xf32, #tpu.memory_space<hbm>> -> memref<1x8192xf32, #tpu.memory_space<hbm>>
        %dma_wait3A_293 = tpu.memref_squeeze %dma_wait3A_292 : memref<1x8192xf32, #tpu.memory_space<hbm>> -> memref<8192xf32, #tpu.memory_space<hbm>>
        tpu.wait_dma2 semaphore(%run_scoped3A_287 : memref<!tpu.dma_semaphore, #tpu.memory_space<semaphore_mem>>) src(%arg10 : memref<8192xf32, #tpu.memory_space<vmem_shared>>) dst(%dma_wait3A_293 : memref<8192xf32, #tpu.memory_space<hbm>>)
        tpu.yield
      }) : () -> ()
    } else {
    }
    return
  }
}

module attributes {stable_mosaic.version = 14 : i64} {
  func.func @_argmin_body(%arg0: i32, %arg1: memref<512x32xf32, #tpu.memory_space<vmem>>, %arg2: memref<32x8192xf32, #tpu.memory_space<vmem>>, %arg3: memref<512xi32, #tpu.memory_space<vmem>>, %arg4: memref<1x1x1xf32, #tpu.memory_space<vmem>>, %arg5: memref<1x8192xf32, #tpu.memory_space<vmem>>) attributes {dimension_semantics = [#tpu.dimension_semantics<arbitrary>], iteration_bounds = array<i64: 16>, scalar_prefetch = 0 : i64, scratch_operands = 1 : i64, tpu.core_type = #tpu.core_type<tc>, window_params = [{transform_indices = @transform_0, window_bounds = array<i64: 512, 32>}, {pipeline_mode = #tpu.pipeline_mode<synchronous>, transform_indices = @transform_1, window_bounds = array<i64: 32, 8192>}, {transform_indices = @transform_2, window_bounds = array<i64: 512>}, {transform_indices = @transform_3, window_bounds = array<i64: 1, 1, 1>}]} {
    %eq3A = arith.constant 0 : i32
    %eq3A_0 = arith.cmpi eq, %arg0, %eq3A : i32
    %convert_element_type3A = arith.extui %eq3A_0 : i1 to i32
    %cond3A = arith.constant 0 : i32
    %cond3A_1 = arith.cmpi ne, %convert_element_type3A, %cond3A : i32
    scf.if %cond3A_1 {
      %get3A_68 = arith.constant 0 : index
      %get3A_69 = arith.constant 0 : index
      %get3A_70 = vector.load %arg2[%get3A_68, %get3A_69] : memref<32x8192xf32, #tpu.memory_space<vmem>>, vector<32x8192xf32>
      %mul3A_71 = arith.mulf %get3A_70, %get3A_70 : vector<32x8192xf32>
      %reduce_sum3A_72 = arith.constant dense<0.000000e+00> : vector<8192xf32>
      %reduce_sum3A_73 = vector.multi_reduction <add>, %mul3A_71, %reduce_sum3A_72 [0] : vector<32x8192xf32> to vector<8192xf32>
      %broadcast_in_dim3A_74 = vector.shape_cast %reduce_sum3A_73 : vector<8192xf32> to vector<1x8192xf32>
      %swap3A_75 = arith.constant 0 : index
      %swap3A_76 = arith.constant 0 : index
      %swap3A_77 = vector.load %arg5[%swap3A_75, %swap3A_76] : memref<1x8192xf32, #tpu.memory_space<vmem>>, vector<1x8192xf32>
      tpu.vector_store %arg5[%swap3A_75, %swap3A_76], %broadcast_in_dim3A_74 {strides = array<i32>} : memref<1x8192xf32, #tpu.memory_space<vmem>>, vector<1x8192xf32>,
    } else {
    }
    %get3A = arith.constant 0 : index
    %get3A_2 = arith.constant 0 : index
    %get3A_3 = vector.load %arg1[%get3A, %get3A_2] : memref<512x32xf32, #tpu.memory_space<vmem>>, vector<512x32xf32>
    %mul3A = arith.mulf %get3A_3, %get3A_3 : vector<512x32xf32>
    %reduce_sum3A = arith.constant dense<0.000000e+00> : vector<512xf32>
    %reduce_sum3A_4 = vector.multi_reduction <add>, %mul3A, %reduce_sum3A [1] : vector<512x32xf32> to vector<512xf32>
    %broadcast_in_dim3A = vector.shape_cast %reduce_sum3A_4 : vector<512xf32> to vector<512x1xf32>
    %get3A_5 = arith.constant 0 : index
    %get3A_6 = arith.constant 0 : index
    %get3A_7 = vector.load %arg5[%get3A_5, %get3A_6] : memref<1x8192xf32, #tpu.memory_space<vmem>>, vector<1x8192xf32>
    %convert_element_type3A_8 = arith.truncf %get3A_3 : vector<512x32xf32> to vector<512x32xbf16>
    %get3A_9 = arith.constant 0 : index
    %get3A_10 = arith.constant 0 : index
    %get3A_11 = vector.load %arg2[%get3A_9, %get3A_10] : memref<32x8192xf32, #tpu.memory_space<vmem>>, vector<32x8192xf32>
    %convert_element_type3A_12 = arith.truncf %get3A_11 : vector<32x8192xf32> to vector<32x8192xbf16>
    %dot_general3A = arith.constant dense<0.000000e+00> : vector<512x8192xf32>
    %dot_general3A_13 = tpu.matmul %convert_element_type3A_8, %convert_element_type3A_12, %dot_general3A {dimension_numbers = #tpu.dot_dimension_numbers<[1], [0], [0], [1], [0, 0, 1, 1], [], []>, transpose_lhs_hint = false} : vector<512x32xbf16>, vector<32x8192xbf16>, vector<512x8192xf32> -> vector<512x8192xf32>
    %add3A = vector.broadcast %broadcast_in_dim3A : vector<512x1xf32> to vector<512x8192xf32>
    %add3A_14 = vector.broadcast %get3A_7 : vector<1x8192xf32> to vector<512x8192xf32>
    %add3A_15 = arith.addf %add3A, %add3A_14 : vector<512x8192xf32>
    %mul3A_16 = arith.constant 2.000000e+00 : f32
    %mul3A_17 = vector.broadcast %mul3A_16 : f32 to vector<512x8192xf32>
    %mul3A_18 = arith.mulf %mul3A_17, %dot_general3A_13 : vector<512x8192xf32>
    %sub3A = arith.subf %add3A_15, %mul3A_18 : vector<512x8192xf32>
    %slice3A = vector.extract_strided_slice %sub3A {offsets = [0, 0], sizes = [512, 2048], strides = [1, 1]} : vector<512x8192xf32> to vector<512x2048xf32>
    %reduce_min3A = arith.constant dense<0x7F800000> : vector<512xf32>
    %reduce_min3A_19 = vector.multi_reduction <minimumf>, %slice3A, %reduce_min3A [1] : vector<512x2048xf32> to vector<512xf32>
    %argmin3A = tpu.reduce_index %slice3A {axis = 1 : i32, kind = #tpu.reduction_kind<arg_min>} : vector<512x2048xf32> -> vector<512xi32>
    %add3A_20 = arith.constant 0 : i32
    %add3A_21 = vector.broadcast %add3A_20 : i32 to vector<512xi32>
    %add3A_22 = arith.addi %argmin3A, %add3A_21 : vector<512xi32>
    %convert_element_type3A_23 = arith.truncf %reduce_min3A_19 : vector<512xf32> to vector<512xbf16>
    %convert_element_type3A_24 = arith.extf %convert_element_type3A_23 : vector<512xbf16> to vector<512xf32>
    %slice3A_25 = vector.extract_strided_slice %sub3A {offsets = [0, 2048], sizes = [512, 2048], strides = [1, 1]} : vector<512x8192xf32> to vector<512x2048xf32>
    %reduce_min3A_26 = arith.constant dense<0x7F800000> : vector<512xf32>
    %reduce_min3A_27 = vector.multi_reduction <minimumf>, %slice3A_25, %reduce_min3A_26 [1] : vector<512x2048xf32> to vector<512xf32>
    %argmin3A_28 = tpu.reduce_index %slice3A_25 {axis = 1 : i32, kind = #tpu.reduction_kind<arg_min>} : vector<512x2048xf32> -> vector<512xi32>
    %add3A_29 = arith.constant 2048 : i32
    %add3A_30 = vector.broadcast %add3A_29 : i32 to vector<512xi32>
    %add3A_31 = arith.addi %argmin3A_28, %add3A_30 : vector<512xi32>
    %lt3A = arith.cmpf olt, %reduce_min3A_27, %convert_element_type3A_24 : vector<512xf32>
    %select_n3A = arith.select %lt3A, %add3A_31, %add3A_22 : vector<512xi1>, vector<512xi32>
    %select_n3A_32 = arith.select %lt3A, %reduce_min3A_27, %convert_element_type3A_24 : vector<512xi1>, vector<512xf32>
    %min3A = arith.minimumf %reduce_min3A_19, %reduce_min3A_27 : vector<512xf32>
    %convert_element_type3A_33 = arith.truncf %select_n3A_32 : vector<512xf32> to vector<512xbf16>
    %convert_element_type3A_34 = arith.extf %convert_element_type3A_33 : vector<512xbf16> to vector<512xf32>
    %slice3A_35 = vector.extract_strided_slice %sub3A {offsets = [0, 4096], sizes = [512, 2048], strides = [1, 1]} : vector<512x8192xf32> to vector<512x2048xf32>
    %reduce_min3A_36 = arith.constant dense<0x7F800000> : vector<512xf32>
    %reduce_min3A_37 = vector.multi_reduction <minimumf>, %slice3A_35, %reduce_min3A_36 [1] : vector<512x2048xf32> to vector<512xf32>
    %argmin3A_38 = tpu.reduce_index %slice3A_35 {axis = 1 : i32, kind = #tpu.reduction_kind<arg_min>} : vector<512x2048xf32> -> vector<512xi32>
    %add3A_39 = arith.constant 4096 : i32
    %add3A_40 = vector.broadcast %add3A_39 : i32 to vector<512xi32>
    %add3A_41 = arith.addi %argmin3A_38, %add3A_40 : vector<512xi32>
    %lt3A_42 = arith.cmpf olt, %reduce_min3A_37, %convert_element_type3A_34 : vector<512xf32>
    %select_n3A_43 = arith.select %lt3A_42, %add3A_41, %select_n3A : vector<512xi1>, vector<512xi32>
    %select_n3A_44 = arith.select %lt3A_42, %reduce_min3A_37, %convert_element_type3A_34 : vector<512xi1>, vector<512xf32>
    %min3A_45 = arith.minimumf %min3A, %reduce_min3A_37 : vector<512xf32>
    %convert_element_type3A_46 = arith.truncf %select_n3A_44 : vector<512xf32> to vector<512xbf16>
    %convert_element_type3A_47 = arith.extf %convert_element_type3A_46 : vector<512xbf16> to vector<512xf32>
    %slice3A_48 = vector.extract_strided_slice %sub3A {offsets = [0, 6144], sizes = [512, 2048], strides = [1, 1]} : vector<512x8192xf32> to vector<512x2048xf32>
    %reduce_min3A_49 = arith.constant dense<0x7F800000> : vector<512xf32>
    %reduce_min3A_50 = vector.multi_reduction <minimumf>, %slice3A_48, %reduce_min3A_49 [1] : vector<512x2048xf32> to vector<512xf32>
    %argmin3A_51 = tpu.reduce_index %slice3A_48 {axis = 1 : i32, kind = #tpu.reduction_kind<arg_min>} : vector<512x2048xf32> -> vector<512xi32>
    %add3A_52 = arith.constant 6144 : i32
    %add3A_53 = vector.broadcast %add3A_52 : i32 to vector<512xi32>
    %add3A_54 = arith.addi %argmin3A_51, %add3A_53 : vector<512xi32>
    %lt3A_55 = arith.cmpf olt, %reduce_min3A_50, %convert_element_type3A_47 : vector<512xf32>
    %select_n3A_56 = arith.select %lt3A_55, %add3A_54, %select_n3A_43 : vector<512xi1>, vector<512xi32>
    %min3A_57 = arith.minimumf %min3A_45, %reduce_min3A_50 : vector<512xf32>
    %swap3A = arith.constant 0 : index
    %swap3A_58 = vector.load %arg3[%swap3A] : memref<512xi32, #tpu.memory_space<vmem>>, vector<512xi32>
    tpu.vector_store %arg3[%swap3A], %select_n3A_56 {strides = array<i32>} : memref<512xi32, #tpu.memory_space<vmem>>, vector<512xi32>,
    %reduce_sum3A_59 = vector.shape_cast %min3A_57 : vector<512xf32> to vector<1x512xf32>
    %reduce_sum3A_60 = arith.constant dense<0.000000e+00> : vector<1xf32>
    %reduce_sum3A_61 = vector.multi_reduction <add>, %reduce_sum3A_59, %reduce_sum3A_60 [1] : vector<1x512xf32> to vector<1xf32>
    %reduce_sum3A_62 = vector.shape_cast %reduce_sum3A_61 : vector<1xf32> to vector<1x1xf32>
    %reduce_sum3A_63 = vector.extract %reduce_sum3A_62[0, 0] : f32 from vector<1x1xf32>
    %reshape3A = vector.broadcast %reduce_sum3A_63 : f32 to vector<1x1x1xf32>
    %swap3A_64 = arith.constant 0 : index
    %swap3A_65 = arith.constant 0 : index
    %swap3A_66 = arith.constant 0 : index
    %swap3A_67 = vector.load %arg4[%swap3A_64, %swap3A_65, %swap3A_66] : memref<1x1x1xf32, #tpu.memory_space<vmem>>, vector<1x1x1xf32>
    tpu.vector_store %arg4[%swap3A_64, %swap3A_65, %swap3A_66], %reshape3A {strides = array<i32>} : memref<1x1x1xf32, #tpu.memory_space<vmem>>, vector<1x1x1xf32>,
    return
  }
  func.func @transform_0(%arg0: i32) -> (i32, i32) {
    %c0_i32 = arith.constant 0 : i32
    %c0_i32_0 = arith.constant 0 : i32
    return %arg0, %c0_i32 : i32, i32
  }
  func.func @transform_1(%arg0: i32) -> (i32, i32) {
    %c0_i32 = arith.constant 0 : i32
    %c0_i32_0 = arith.constant 0 : i32
    %c0_i32_1 = arith.constant 0 : i32
    return %c0_i32, %c0_i32_0 : i32, i32
  }
  func.func @transform_2(%arg0: i32) -> i32 {
    %c0_i32 = arith.constant 0 : i32
    return %arg0 : i32
  }
  func.func @transform_3(%arg0: i32) -> (i32, i32, i32) {
    %c0_i32 = arith.constant 0 : i32
    %c0_i32_0 = arith.constant 0 : i32
    %c0_i32_1 = arith.constant 0 : i32
    return %arg0, %c0_i32, %c0_i32_0 : i32, i32, i32
  }
}

module attributes {stable_mosaic.version = 14 : i64} {
  func.func @_stats_body(%arg0: memref<16x1x1xf32, #tpu.memory_space<vmem>>, %arg1: memref<2x8192xf32, #tpu.memory_space<vmem>>, %arg2: memref<1x1xf32, #tpu.memory_space<vmem>>, %arg3: memref<1x1xf32, #tpu.memory_space<vmem>>) attributes {dimension_semantics = [], scalar_prefetch = 0 : i64, scratch_operands = 0 : i64, tpu.core_type = #tpu.core_type<tc>} {
    %get3A = arith.constant 0 : index
    %get3A_0 = arith.constant 0 : index
    %get3A_1 = arith.constant 0 : index
    %get3A_2 = vector.load %arg0[%get3A, %get3A_0, %get3A_1] : memref<16x1x1xf32, #tpu.memory_space<vmem>>, vector<16x1x1xf32>
    %reduce_sum3A = vector.shape_cast %get3A_2 : vector<16x1x1xf32> to vector<1x16x1x1xf32>
    %reduce_sum3A_3 = arith.constant dense<0.000000e+00> : vector<1xf32>
    %reduce_sum3A_4 = vector.multi_reduction <add>, %reduce_sum3A, %reduce_sum3A_3 [1, 2, 3] : vector<1x16x1x1xf32> to vector<1xf32>
    %reduce_sum3A_5 = vector.shape_cast %reduce_sum3A_4 : vector<1xf32> to vector<1x1x1x1xf32>
    %reduce_sum3A_6 = vector.extract %reduce_sum3A_5[0, 0, 0, 0] : f32 from vector<1x1x1x1xf32>
    %mul3A = arith.constant 3.81469727E-6 : f32
    %mul3A_7 = arith.mulf %reduce_sum3A_6, %mul3A : f32
    %mul3A_8 = arith.constant 2.500000e-01 : f32
    %mul3A_9 = arith.mulf %mul3A_8, %mul3A_7 : f32
    %reshape3A = vector.broadcast %mul3A_9 : f32 to vector<1x1xf32>
    %swap3A = arith.constant 0 : index
    %swap3A_10 = arith.constant 0 : index
    %swap3A_11 = vector.load %arg2[%swap3A, %swap3A_10] : memref<1x1xf32, #tpu.memory_space<vmem>>, vector<1x1xf32>
    tpu.vector_store %arg2[%swap3A, %swap3A_10], %reshape3A {strides = array<i32>} : memref<1x1xf32, #tpu.memory_space<vmem>>, vector<1x1xf32>,
    %get3A_12 = arith.constant 0 : index
    %get3A_13 = arith.constant 0 : index
    %get3A_14 = vector.load %arg1[%get3A_12, %get3A_13] : memref<2x8192xf32, #tpu.memory_space<vmem>>, vector<2x8192xf32>
    %reduce_sum3A_15 = arith.constant dense<0.000000e+00> : vector<8192xf32>
    %reduce_sum3A_16 = vector.multi_reduction <add>, %get3A_14, %reduce_sum3A_15 [0] : vector<2x8192xf32> to vector<8192xf32>
    %broadcast_in_dim3A = vector.shape_cast %reduce_sum3A_16 : vector<8192xf32> to vector<1x8192xf32>
    %mul3A_17 = arith.constant 1.22070313E-4 : f32
    %mul3A_18 = vector.broadcast %mul3A_17 : f32 to vector<1x8192xf32>
    %mul3A_19 = arith.mulf %broadcast_in_dim3A, %mul3A_18 : vector<1x8192xf32>
    %add3A = arith.constant 1.000000e-10 : f32
    %add3A_20 = vector.broadcast %add3A : f32 to vector<1x8192xf32>
    %add3A_21 = arith.addf %mul3A_19, %add3A_20 : vector<1x8192xf32>
    %log3A = math.log %add3A_21 : vector<1x8192xf32>
    %mul3A_22 = arith.mulf %mul3A_19, %log3A : vector<1x8192xf32>
    %reduce_sum3A_23 = vector.shape_cast %mul3A_22 : vector<1x8192xf32> to vector<1x1x8192xf32>
    %reduce_sum3A_24 = arith.constant dense<0.000000e+00> : vector<1xf32>
    %reduce_sum3A_25 = vector.multi_reduction <add>, %reduce_sum3A_23, %reduce_sum3A_24 [1, 2] : vector<1x1x8192xf32> to vector<1xf32>
    %reduce_sum3A_26 = vector.shape_cast %reduce_sum3A_25 : vector<1xf32> to vector<1x1x1xf32>
    %reduce_sum3A_27 = vector.extract %reduce_sum3A_26[0, 0, 0] : f32 from vector<1x1x1xf32>
    %neg3A = arith.constant 0.000000e+00 : f32
    %neg3A_28 = arith.subf %neg3A, %reduce_sum3A_27 : f32
    %exp3A = math.exp %neg3A_28 : f32
    %reshape3A_29 = vector.broadcast %exp3A : f32 to vector<1x1xf32>
    %swap3A_30 = arith.constant 0 : index
    %swap3A_31 = arith.constant 0 : index
    %swap3A_32 = vector.load %arg3[%swap3A_30, %swap3A_31] : memref<1x1xf32, #tpu.memory_space<vmem>>, vector<1x1xf32>
    tpu.vector_store %arg3[%swap3A_30, %swap3A_31], %reshape3A_29 {strides = array<i32>} : memref<1x1xf32, #tpu.memory_space<vmem>>, vector<1x1xf32>,
    return
  }
}

</mosaic_0001>

<sc_bundles>
// kernel: kernel.5.cloned.1.call-start
scs
__scs_entry_jumppad:
0x0: {  	(pc) =	sbr.rel $0x88, $3  }
0x1: {  	(tag) =	ssettag $0x0;
	lr =	simm.s32 $0x1  }
0x2: {  	[smem:$0x3F9F] =	sst lr;
	_ =	strace $0xD0000000  }
0x3: {  	_ = 	snop  }
0x4: {  	_ = 	snop  }
0x5: {  	_ = 	snop  }
0x6: {  	_ = 	snop  }
0x7: {  	_ = 	snop  }
__scs_overlays_trampoline_lowered:
0x8: {  	[smem:$0x3FAE] =	sst s0  }
0x9: {  	[smem:$0x3FAF] =	sst s1  }
0xa: {  	[smem:$0x3FB0] =	sst s2  }
0xb: {  	[smem:$0x3FB1] =	sst s3  }
0xc: {  	[smem:$0x3FB2] =	sst s4  }
0xd: {  	[smem:$0x3FB3] =	sst s5  }
0xe: {  	[smem:$0x3FB4] =	sst s6  }
0xf: {  	[smem:$0x3FB5] =	sst s7  }
0x10: {  	[smem:$0x3FB6] =	sst s8  }
0x11: {  	[smem:$0x3FB7] =	sst s9;
	s0 =	simm.s32 @!p0 $0x0  }
0x12: {  	s1 =	sld [smem:$0x3F9D];
	s0 =	simm.s32 @p0 $0x1  }
0x13: {  	[smem:$0x3FB8] =	sst s0;
	s0 =	simm.s32 @!p1 $0x0  }
0x14: {  	s2 =	sld [smem:$0x3F9C];
	s0 =	simm.s32 @p1 $0x1  }
0x15: {  	[smem:$0x3FB9] =	sst s0;
	s0 =	simm.s32 @!p2 $0x0  }
0x16: {  	s3 =	sld [smem:$0x3FDB];
	s0 =	simm.s32 @p2 $0x1  }
0x17: {  	s4 =	simm.s32 $0x1BF5;
	[smem:$0x3FBB] =	sst s0  }
0x18: {  	s0 =	sld [smem:$0x3F9E];
	_ =	swait.ge [sflag:s4], $0x0  }
0x19: {  	s7 =	sld [smem:$0x3F9F]  }
0x1a: {  	s8 =	sadd.s32 $0xFFFFE003, lr  }
0x1b: {  	s9 =	sadd.s32 $0xFFFFFEF7, lr;
	s5 =	simm.s32 $0xFFFFFFFF;
	p2 =	slt.u32 s8, $0xFFFFF086  }
0x1c: {  	p1 =	slt.u32 s9, $0xF7A;
	s5 =	simm.s32 @!p2 $0x0  }
0x1d: {  	s5 =	simm.s32 @p1 $0x1;
	p0 =	seq.s32 s7, s2  }
0x1e: {  	s7 =	smul.u32 @!p0 $0xF7A, s2;
	p2 =	seq.s32 @!p0 s5, $0x0  }
0x1f: {  	s9 =	smul.u32 $0xF7A, s1;
	s8 =	simm.s32 @!p0 $0x1BF5;
	p2 =	por !p2, p0  }
0x20: {  	[sflag:s8] =	ssyncset.s32 @!p0 $0xFFFFF086;
	s6 =	sadd.s32 @!p0 s3, s7;
	s7 =	simm.s32 @!p0 $0x108  }
0x21: {  	s3 =	sadd.s32 s3, s9;
	s6 =	sadd.s32 @!p0 $0x88, s6;
	s7 =	simm.s32 @p2 $0x1082  }
0x22: {  	[simem:s7], [sflag:s8] =	dma.local @!p0 [hbm:s6], $0xF7A  }
0x23: {  	s9 =	sor.u32 $0xD0000000, s2;
	s6 =	simm.s32 $0x108;
	_ =	swait.ge @!p0 [sflag:s8], $0x0  }
0x24: {  	s3 =	sadd.s32 $0x88, s3;
	s6 =	simm.s32 @!p1 $0x1082;
	[sflag:s4] =	ssyncset.s32 $0xFFFFF086  }
0x25: {  	[simem:s6], [sflag:s4] =	dma.local [hbm:s3], $0xF7A  }
0x26: {  	[smem:$0x3F9F] =	sst s1;
	(tag) =	ssettag s2;
	_ =	strace s9  }
0x27: {  	s1 =	sld [smem:$0x3FAF]  }
0x28: {  	s2 =	sld [smem:$0x3FB0]  }
0x29: {  	s4 =	sld [smem:$0x3FB2]  }
0x2a: {  	p0 =	seq.s32 s5, $0x0;
	s5 =	sld [smem:$0x3FB3]  }
0x2b: {  	s6 =	sld [smem:$0x3FB4]  }
0x2c: {  	s7 =	sld [smem:$0x3FB5]  }
0x2d: {  	s3 =	simm.s32 $0x108;
	s8 =	sld [smem:$0x3FB6]  }
0x2e: {  	s3 =	simm.s32 @!p0 $0x1082;
	s9 =	sld [smem:$0x3FB7]  }
0x2f: {  	lr =	sadd.s32 s0, s3;
	s0 =	sld [smem:$0x3FAE]  }
0x30: {  	s3 =	sld [smem:$0x3FB1]  }
0x31: {  	[smem:$0x3FBA] =	sst s10  }
0x32: {  	s10 =	sld [smem:$0x3FB8];
	_ =	sdelay $0x3  }
0x33: {  	p0 =	seq.s32 s10, $0x1;
	s10 =	sld [smem:$0x3FBA];
	_ =	sdelay $0x3  }
0x34: {  	[smem:$0x3FBA] =	sst s10  }
0x35: {  	s10 =	sld [smem:$0x3FB9];
	_ =	sdelay $0x3  }
0x36: {  	p1 =	seq.s32 s10, $0x1;
	s10 =	sld [smem:$0x3FBA];
	_ =	sdelay $0x3  }
0x37: {  	[smem:$0x3FBA] =	sst s10  }
0x38: {  	s10 =	sld [smem:$0x3FBB]  }
0x39: {  	_ = 	snop;
	(pc) =	sbr.ind lr, $3  }
0x3a: {  	_ = 	snop  }
0x3b: {  	_ = 	snop  }
0x3c: {  	p2 =	seq.s32 s10, $0x1;
	s10 =	sld [smem:$0x3FBA]  }
0x3d: {  	_ =	shalt  }
0x3e: {  	_ =	shalt  }
0x3f: {  	_ =	shalt  }
0x40: {  	_ =	shalt  }
0x41: {  	_ =	shalt  }
0x42: {  	_ =	shalt  }
0x43: {  	_ =	shalt  }
0x44: {  	_ =	shalt  }
0x45: {  	_ =	shalt  }
0x46: {  	_ =	shalt  }
0x47: {  	_ =	shalt  }
0x48: {  	_ =	shalt  }
0x49: {  	_ =	shalt  }
0x4a: {  	_ =	shalt  }
0x4b: {  	_ =	shalt  }
0x4c: {  	_ =	shalt  }
0x4d: {  	_ =	shalt  }
0x4e: {  	_ =	shalt  }
0x4f: {  	_ =	shalt  }
0x50: {  	_ =	shalt  }
0x51: {  	_ =	shalt  }
0x52: {  	_ =	shalt  }
0x53: {  	_ =	shalt  }
0x54: {  	_ =	shalt  }
0x55: {  	_ =	shalt  }
0x56: {  	_ =	shalt  }
0x57: {  	_ =	shalt  }
0x58: {  	_ =	shalt  }
0x59: {  	_ =	shalt  }
0x5a: {  	_ =	shalt  }
0x5b: {  	_ =	shalt  }
0x5c: {  	_ =	shalt  }
0x5d: {  	_ =	shalt  }
0x5e: {  	_ =	shalt  }
0x5f: {  	_ =	shalt  }
0x60: {  	_ =	shalt  }
0x61: {  	_ =	shalt  }
0x62: {  	_ =	shalt  }
0x63: {  	_ =	shalt  }
0x64: {  	_ =	shalt  }
0x65: {  	_ =	shalt  }
0x66: {  	_ =	shalt  }
0x67: {  	_ =	shalt  }
0x68: {  	_ =	shalt  }
0x69: {  	_ =	shalt  }
0x6a: {  	_ =	shalt  }
0x6b: {  	_ =	shalt  }
0x6c: {  	_ =	shalt  }
0x6d: {  	_ =	shalt  }
0x6e: {  	_ =	shalt  }
0x6f: {  	_ =	shalt  }
0x70: {  	_ =	shalt  }
0x71: {  	_ =	shalt  }
0x72: {  	_ =	shalt  }
0x73: {  	_ =	shalt  }
0x74: {  	_ =	shalt  }
0x75: {  	_ =	shalt  }
0x76: {  	_ =	shalt  }
0x77: {  	_ =	shalt  }
0x78: {  	_ =	shalt  }
0x79: {  	_ =	shalt  }
0x7a: {  	_ =	shalt  }
0x7b: {  	_ =	shalt  }
0x7c: {  	_ =	shalt  }
0x7d: {  	_ =	shalt  }
0x7e: {  	_ =	shalt  }
0x7f: {  	_ =	shalt  }
0x80: {  	_ =	shalt  }
0x81: {  	_ =	shalt  }
0x82: {  	_ =	shalt  }
0x83: {  	_ =	shalt  }
0x84: {  	_ =	shalt  }
0x85: {  	_ =	shalt  }
0x86: {  	_ =	shalt  }
0x87: {  	_ =	shalt  }
.Lfunc_end0:
.L_simem_size_0:
called_computation_lowered:
.L_overlay_start_0:
0x88: {  	s2 =	sld [smem:$0x3FD9]  }
0x89: {  	s3 =	sld [smem:$0x3FFE];
	_ =	sdelay $0x1  }
0x8a: {  	s1 =	srdreg.scid  }
0x8b: {  	s0 =	sand.u32 $0x1, s1  }
0x8c: {  	s14 =	sshll.u32 s0, $0xA;
	s2 =	sadd.s32 s3, s2  }
0x8d: {  	s2 =	sadd.s32 s2, s14  }
0x8e: {  	[smem:$0x3FC6] =	sst s2  }
0x8f: {  	_ = 	snop  }
0x90: {  	s2 =	sld [smem:$0x3FD0];
	_ =	sdelay $0x2  }
0x91: {  	s15 =	simm.s32 $0xA;
	s4 =	simm.s32 $0x10  }
0x92: {  	[smem:s4], [sflag:s15] =	dma.local [hbm:s2], $0x1  }
0x93: {  	_ =	swait.eq [sflag:s15], $0x1  }
0x94: {  	[sflag:s15] =	ssyncset.done $0x0  }
0x95: {  	s16 =	sld [smem:$0x11];
	[sflag:s15] =	ssyncadd.s32 $0xFFFFFFFF  }
0x96: {  	s17 =	sld [smem:$0x13];
	(tm) =	ssettm $0x1  }
0x97: {  	s18 =	sld [smem:$0x3FFB];
	_ =	sdelay $0x3  }
0x98: {  	_ =	strace s18  }
0x99: {  	s4 =	sld [smem:$0x3FFC];
	_ =	sdelay $0x3  }
0x9a: {  	_ =	strace s4  }
0x9b: {  	s4 =	sld [smem:$0x3FFD];
	_ =	sdelay $0x3  }
0x9c: {  	_ =	strace s4  }
0x9d: {  	_ =	strace $0x8FFFFFFF  }
0x9e: {  	s19 =	sld [smem:$0x3FDB];
	_ =	sdelay $0x1  }
0x9f: {  	s5 =	simm.s32 $_scs_section_size  }
0xa0: {  	s6 =	simm.s32 $_size__tile_overlayer_lowered;
	s7 =	simm.s32 $_tile_overlayer_lowered  }
0xa1: {  	s22 =	simm.s32 $0x1BFF;
	s21 =	sshll.u32 s7, $0x1;
	s4 =	sadd.s32 s5, s19  }
0xa2: {  	s8 =	simm.s32 $0x0;
	s20 =	sshll.u32 s6, $0x1;
	s6 =	sadd.s32 s21, s4  }
0xa3: {  	[timem:s8], [sflag:s22] =	dma.local [hbm:s6], s20  }
0xa4: {  	_ =	swait.ge [sflag:s22], s20  }
0xa5: {  	s5 =	ssub.s32 $0x0, s20;
	[sflag:s22] =	ssyncset.done $0x0  }
0xa6: {  	[sflag:s22] =	ssyncadd.s32 s5;
	_ =	sdelay $0x1  }
0xa7: {  	s23 =	simm.s32 $0x1B8B  }
0xa8: {  	_ =	swait.ge [sflag:s23], $0x1  }
0xa9: {  	[sflag:s23] =	ssyncset.done $0x0  }
0xaa: {  	s25 =	simm.s32 $0x1B8E;
	s24 =	sld [smem:$0x3FFE];
	[sflag:s23] =	ssyncadd.s32 $0xFFFFFFFF  }
0xab: {  	s26 =	simm.s32 $execute0_lowered;
	[smem:$0x3FD2] =	sst s25  }
0xac: {  	s6 =	sshll.u32 s26, $0x1;
	_ =	strace $0x80000046;
	[dreg:$0x1] =	wrdreg $0xFFFFFFFF  }
0xad: {  	s28 =	simm.s32 $_size_execute0_lowered;
	s4 =	sadd.s32 s4, s6;
	[dreg:$0x0] =	wrdreg $0x0  }
0xae: {  	s6 =	sshll.u32 s28, $0x1;
	[dreg:$0x2] =	wrdreg s4  }
0xaf: {  	[dreg:$0x3] =	wrdreg s6  }
0xb0: {  	[dreg:$0x4] =	wrdreg $0xC0  }
0xb1: {  	_ =	task [dreg:s8], $0x5FFFF  }
0xb2: {  	[dreg:$0x1] =	wrdreg $0xFFFFFFFF  }
0xb3: {  	[dreg:$0x0] =	wrdreg $0x60  }
0xb4: {  	[dreg:$0x2] =	wrdreg s17  }
0xb5: {  	[dreg:$0x3] =	wrdreg s24  }
0xb6: {  	[dreg:$0x4] =	wrdreg s16  }
0xb7: {  	[dreg:$0x5] =	wrdreg $0x23800  }
0xb8: {  	[dreg:$0x6] =	wrdreg $0x9  }
0xb9: {  	_ =	task.clear_ibuf [dreg:s8], $0x7FFFF;
	_ =	strace $0x90000046  }
0xba: {  	s29 =	simm.s32 $0x9;
	_ =	strace $0x80000048  }
0xbb: {  	_ =	swait.ge [sflag:s29], $0x1  }
0xbc: {  	[sflag:s29] =	ssyncadd.s32 $0xFFFFFFFF  }
0xbd: {  	_ =	strace $0x90000048  }
0xbe: {  	_ =	sfence  }
0xbf: {  	s30 =	sld [smem:$0x0];
	_ =	sdelay $0x2  }
0xc0: {  	s31 =	sshll.u32 s1, $0xD;
	s1 =	sshrl.u32 s1, $0x2  }
0xc1: {  	s3 =	sand.u32 $0x4000, s31;
	s1 =	sadd.s32 s1, s30  }
0xc2: {  	s0 =	sor.u32 s3, s0;
	s1 =	sshll.u32 s1, $0x11  }
0xc3: {  	s0 =	sor.u32 s1, s0  }
0xc4: {  	s0 =	sadd.s32 $0x8F2B, s0  }
0xc5: {  	[sflag:s0] =	ssyncadd.remote.s32 $0x1  }
0xc6: {  	_ =	sfence.sel $0xFFFF  }
0xc7: {  	[dreg:$0x0] =	wrdreg $0xFFFFFFFF;
	(pc) =	sbr.abs _section_cstart, $3  }
0xc8: {  	[dreg:$0x1] =	wrdreg $0xFFFFFFFF  }
0xc9: {  	_ =	task.clear_ibuf [dreg:s8], $0x2FFFF;
	_ =	strace $0x9FFFFFFF  }
0xca: {  	(tm) =	ssettm $0x7FFFFFFF  }
0xcb: {  	_ =	shalt  }
tec
execute0_lowered:
.L_overlay_start_1:
0x0: {  	(tag) =	ssettag $0x1  }
0x1: {  	s1 =	rddreg [dreg:$0x0]  }
0x2: {  	s14 =	rddreg [dreg:$0x1]  }
0x3: {  	s12 =	rddreg [dreg:$0x2]  }
0x4: {  	s2 =	rddreg [dreg:$0x3];
	s3 =	simm.s32 $0x0  }
0x5: {  	v0 =	vimm.f32 $1.000000000e+00;
	[smem:$0x7FF] =	sst s3  }
0x6: {  	s0 =	rddreg [dreg:$0x4];
	_ =	strace $0x80000047;
	[tilespmem:$0x2120] =	vst v0  }
0x7: {  	[tilespmem:$0x2130] =	vst v0  }
0x8: {  	[tilespmem:$0x2140] =	vst v0  }
0x9: {  	[tilespmem:$0x2150] =	vst v0  }
0xa: {  	[tilespmem:$0x2160] =	vst v0  }
0xb: {  	v1 =	vimm.f32 $0.0e+00;
	[tilespmem:$0x2170] =	vst v0  }
0xc: {  	[tilespmem:$0x2180] =	vst v1  }
0xd: {  	[tilespmem:$0x2190] =	vst v1  }
0xe: {  	[tilespmem:$0x21A0] =	vst v1  }
0xf: {  	[tilespmem:$0x21B0] =	vst v1  }
0x10: {  	[tilespmem:$0x21C0] =	vst v1  }
0x11: {  	[tilespmem:$0x21D0] =	vst v1  }
0x12: {  	[tilespmem:$0x21E0] =	vst v1  }
0x13: {  	[tilespmem:$0x21F0] =	vst v1  }
0x14: {  	[tilespmem:$0x2200] =	vst v1  }
0x15: {  	[tilespmem:$0x2210] =	vst v1  }
0x16: {  	[tilespmem:$0x2220] =	vst v1  }
0x17: {  	[tilespmem:$0x2230] =	vst v1  }
0x18: {  	[tilespmem:$0x2100] =	vst v0  }
0x19: {  	[tilespmem:$0x2370] =	vst v1  }
0x1a: {  	[tilespmem:$0x2360] =	vst v1  }
0x1b: {  	[tilespmem:$0x2350] =	vst v1  }
0x1c: {  	[tilespmem:$0x2340] =	vst v1  }
0x1d: {  	[tilespmem:$0x2330] =	vst v1  }
0x1e: {  	[tilespmem:$0x2320] =	vst v1  }
0x1f: {  	[tilespmem:$0x2310] =	vst v1  }
0x20: {  	[tilespmem:$0x2300] =	vst v1  }
0x21: {  	[tilespmem:$0x22F0] =	vst v1  }
0x22: {  	[tilespmem:$0x22E0] =	vst v1  }
0x23: {  	[tilespmem:$0x22D0] =	vst v1  }
0x24: {  	[tilespmem:$0x22C0] =	vst v1  }
0x25: {  	[tilespmem:$0x22B0] =	vst v1  }
0x26: {  	[tilespmem:$0x22A0] =	vst v1  }
0x27: {  	[tilespmem:$0x2290] =	vst v1  }
0x28: {  	[tilespmem:$0x2280] =	vst v1  }
0x29: {  	[tilespmem:$0x2270] =	vst v1  }
0x2a: {  	[tilespmem:$0x2260] =	vst v1  }
0x2b: {  	s4 =	srdreg.scid;
	s15 =	stileid.u32;
	s5 =	simm.s32 $0x2180;
	[tilespmem:$0x2250] =	vst v1  }
0x2c: {  	s16 =	sand.u32 $0x1, s4;
	s29 =	sshll.u32 s15, $0x1;
	s30 =	sshll.u32 s15, $0x9;
	[tilespmem:$0x2240] =	vst v1  }
0x2d: {  	s6 =	simm.s32 $0x2;
	s13 =	sor.u32 s16, s29;
	s4 =	sadd.s32 s30, s2;
	[tilespmem:$0x2110] =	vst v0  }
0x2e: {  	[spmem:s4] =	stream.linear.scatter [tilespmem:s5], [sflag:$0x2], $0x200, $0x38;
	[tilespmem:$0x2580] =	vst v63  }
0x2f: {  	s7 =	sshll.u32 s13, $0x5;
	_ =	swait.ge [sflag:s6], $0x200  }
0x30: {  	s7 =	sadd.s32 s7, s14;
	[sflag:s6] =	ssyncset.done $0x0  }
0x31: {  	s7 =	sadd.s32 $0x1200, s7;
	[sflag:s6] =	ssyncadd.s32 $0xFFFFFE00  }
0x32: {  	[tilespmem:s3], [sflag:$0x2] =	stream.linear.gather [hbm4b:s7+s3], $0x100, $0x38;
	[tilespmem:$0x2580] =	vst v63  }
0x33: {  	_ =	swait.ge [sflag:s6], $0x100  }
0x34: {  	[sflag:s6] =	ssyncset.done $0x0  }
0x35: {  	s8 =	simm.s32 $0x80;
	s9 =	simm.s32 $0x100;
	[sflag:s6] =	ssyncadd.s32 $0xFFFFFF00  }
0x36: {  	[tilespmem:s9], [sflag:$0x1] =	stream.indirect.gather [hbm4b:s1+s8], $0x20, s3, s8, $0xb8;
	[tilespmem:$0x2580] =	vst v63  }
0x37: {  	s10 =	simm.s32 $0x1100;
	s11 =	simm.s32 $0x1  }
0x38: {  	[tilespmem:s10], [sflag:$0x1] =	stream.indirect.gather [hbm4b:s1+s8], $0x20, s8, s8, $0xb8;
	[tilespmem:$0x2580] =	vst v63  }
0x39: {  	_ =	swait.ge [sflag:s11], $0x1000  }
0x3a: {  	[sflag:s11] =	ssyncset.done $0x0  }
0x3b: {  	[sflag:s11] =	ssyncadd.s32 $0xFFFFF000  }
0x3c: {  	_ =	swait.ge [sflag:s11], $0x1000  }
0x3d: {  	s13 =	sshll.u32 s13, $0xA;
	[sflag:s11] =	ssyncset.done $0x0  }
0x3e: {  	s12 =	sadd.s32 s12, s13;
	[sflag:s11] =	ssyncadd.s32 $0xFFFFF000  }
0x3f: {  	[hbm4b:s12+s3] =	stream.linear.scatter [tilespmem:s9], [sflag:$0x2], $0x2000, $0x38;
	[tilespmem:$0x2580] =	vst v63  }
0x40: {  	_ =	swait.ge [sflag:s6], $0x2000  }
0x41: {  	[sflag:s6] =	ssyncset.done $0x0  }
0x42: {  	s17 =	sshll.u32 s16, $0xA;
	[sflag:s6] =	ssyncadd.s32 $0xFFFFE000  }
0x43: {  	s16 =	ssub.s32 $0x2, s16;
	s13 =	simm.s32 $0x2100;
	[bflag:$0x0] =	sbarrier.arrive $0xFFFF  }
0x44: {  	[spmem:s2] =	stream.indirect.scatter.add.f32 [tilespmem:s13], [sflag:$0x2], $0x1, s3, s8, $0xb8;
	[tilespmem:$0x2580] =	vst v63  }
0x45: {  	s31 =	sshrl.u32 s16, $0x1;
	_ =	swait.ge [sflag:s6], $0x80  }
0x46: {  	s16 =	ssub.s32 s16, s31;
	[sflag:s6] =	ssyncset.done $0x0  }
0x47: {  	p0 =	sne.s32 s15, $0x0;
	s16 =	smax.u32 s16, $0x1;
	[sflag:s6] =	ssyncadd.s32 $0xFFFFFF80  }
0x48: {  	[spmem:s2] =	stream.indirect.scatter.add.f32 [tilespmem:s13], [sflag:$0x2], $0x1, s8, s8, $0xb8;
	[tilespmem:$0x2580] =	vst v63  }
0x49: {  	s14 =	sadd.s32 s17, s14;
	s17 =	sadd.s32 $0xFFFFFFFF, s16;
	_ =	swait.ge [sflag:s6], $0x80  }
0x4a: {  	s15 =	sshrl.u32 @!p0 s2, $0x3;
	p1 =	sne.s32 s17, $0x0;
	[sflag:s6] =	ssyncset.done $0x0  }
.Ltmp0:
0x4b: {  	s18 =	simm.s32 @!p0 $0x1C02;
	[sflag:s6] =	ssyncadd.s32 $0xFFFFFF80;
	(pc) =	sbr.rel @!p1 .LBB2_2-.Ltmp0, $4  }
0x4c: {  	s14 =	sadd.s32 $0x1600, s14;
	s16 =	simm.s32 @!p0 $0x2;
	[bflag:$0x0] =	sbarrier.arrive $0xFFFF  }
0x4d: {  	[hbm:s14], [sflag:s18] =	dma.local @!p0 [spmem:s15], $0x400  }
0x4e: {  	_ =	swait.ge @!p0 [sflag:s16], $0x400  }
0x4f: {  	[sflag:s16] =	ssyncset.done @!p0 $0x0  }
.LBB2_1:
0x50: {  	s17 =	sadd.s32 $0xFFFFFFFF, s17;
	[sflag:s16] =	ssyncadd.s32 @!p0 $0xFFFFFC00  }
0x51: {  	[tilespmem:$0x2120] =	vst v0;
	p1 =	sne.s32 s17, $0x0  }
0x52: {  	[tilespmem:$0x2130] =	vst v0  }
0x53: {  	[tilespmem:$0x2140] =	vst v0  }
0x54: {  	[tilespmem:$0x2150] =	vst v0  }
0x55: {  	[tilespmem:$0x2160] =	vst v0  }
0x56: {  	[tilespmem:$0x2170] =	vst v0  }
0x57: {  	[tilespmem:$0x2180] =	vst v1  }
0x58: {  	[tilespmem:$0x2190] =	vst v1  }
0x59: {  	[tilespmem:$0x21A0] =	vst v1  }
0x5a: {  	[tilespmem:$0x21B0] =	vst v1  }
0x5b: {  	[tilespmem:$0x21C0] =	vst v1  }
0x5c: {  	[tilespmem:$0x21D0] =	vst v1  }
0x5d: {  	[tilespmem:$0x21E0] =	vst v1  }
0x5e: {  	[tilespmem:$0x21F0] =	vst v1  }
0x5f: {  	[tilespmem:$0x2200] =	vst v1  }
0x60: {  	[tilespmem:$0x2210] =	vst v1  }
0x61: {  	[tilespmem:$0x2220] =	vst v1  }
0x62: {  	[tilespmem:$0x2230] =	vst v1  }
0x63: {  	[tilespmem:$0x2100] =	vst v0  }
0x64: {  	[tilespmem:$0x2370] =	vst v1  }
0x65: {  	[tilespmem:$0x2360] =	vst v1  }
0x66: {  	[tilespmem:$0x2350] =	vst v1  }
0x67: {  	[tilespmem:$0x2340] =	vst v1  }
0x68: {  	[tilespmem:$0x2330] =	vst v1  }
0x69: {  	[tilespmem:$0x2320] =	vst v1  }
0x6a: {  	[tilespmem:$0x2310] =	vst v1  }
0x6b: {  	[tilespmem:$0x2300] =	vst v1  }
0x6c: {  	[tilespmem:$0x22F0] =	vst v1  }
0x6d: {  	[tilespmem:$0x22E0] =	vst v1  }
0x6e: {  	[tilespmem:$0x22D0] =	vst v1  }
0x6f: {  	[tilespmem:$0x22C0] =	vst v1  }
0x70: {  	[tilespmem:$0x22B0] =	vst v1  }
0x71: {  	[tilespmem:$0x22A0] =	vst v1  }
0x72: {  	[tilespmem:$0x2290] =	vst v1  }
0x73: {  	[tilespmem:$0x2280] =	vst v1  }
0x74: {  	[tilespmem:$0x2270] =	vst v1  }
0x75: {  	[tilespmem:$0x2260] =	vst v1  }
0x76: {  	[tilespmem:$0x2250] =	vst v1  }
0x77: {  	[tilespmem:$0x2240] =	vst v1  }
0x78: {  	[tilespmem:$0x2110] =	vst v0  }
0x79: {  	[spmem:s4] =	stream.linear.scatter [tilespmem:s5], [sflag:$0x2], $0x200, $0x38;
	[tilespmem:$0x2580] =	vst v63  }
0x7a: {  	_ =	swait.ge [sflag:s6], $0x200  }
0x7b: {  	[sflag:s6] =	ssyncset.done $0x0  }
0x7c: {  	[sflag:s6] =	ssyncadd.s32 $0xFFFFFE00  }
0x7d: {  	[tilespmem:s3], [sflag:$0x2] =	stream.linear.gather [hbm4b:s7+s3], $0x100, $0x38;
	[tilespmem:$0x2580] =	vst v63  }
0x7e: {  	_ =	swait.ge [sflag:s6], $0x100  }
0x7f: {  	[sflag:s6] =	ssyncset.done $0x0  }
0x80: {  	[sflag:s6] =	ssyncadd.s32 $0xFFFFFF00  }
0x81: {  	[tilespmem:s9], [sflag:$0x1] =	stream.indirect.gather [hbm4b:s1+s8], $0x20, s3, s8, $0xb8;
	[tilespmem:$0x2580] =	vst v63  }
0x82: {  	_ = 	snop  }
0x83: {  	[tilespmem:s10], [sflag:$0x1] =	stream.indirect.gather [hbm4b:s1+s8], $0x20, s8, s8, $0xb8;
	[tilespmem:$0x2580] =	vst v63  }
0x84: {  	_ =	swait.ge [sflag:s11], $0x1000  }
0x85: {  	[sflag:s11] =	ssyncset.done $0x0  }
0x86: {  	[sflag:s11] =	ssyncadd.s32 $0xFFFFF000  }
0x87: {  	_ =	swait.ge [sflag:s11], $0x1000  }
0x88: {  	[sflag:s11] =	ssyncset.done $0x0  }
0x89: {  	[sflag:s11] =	ssyncadd.s32 $0xFFFFF000  }
0x8a: {  	[hbm4b:s12+s3] =	stream.linear.scatter [tilespmem:s9], [sflag:$0x2], $0x2000, $0x38;
	[tilespmem:$0x2580] =	vst v63  }
0x8b: {  	_ =	swait.ge [sflag:s6], $0x2000  }
0x8c: {  	[sflag:s6] =	ssyncset.done $0x0  }
0x8d: {  	[sflag:s6] =	ssyncadd.s32 $0xFFFFE000  }
0x8e: {  	[bflag:$0x0] =	sbarrier.arrive $0xFFFF  }
0x8f: {  	[spmem:s2] =	stream.indirect.scatter.add.f32 [tilespmem:s13], [sflag:$0x2], $0x1, s3, s8, $0xb8;
	[tilespmem:$0x2580] =	vst v63  }
0x90: {  	_ =	swait.ge [sflag:s6], $0x80  }
0x91: {  	[sflag:s6] =	ssyncset.done $0x0  }
0x92: {  	[sflag:s6] =	ssyncadd.s32 $0xFFFFFF80  }
0x93: {  	[spmem:s2] =	stream.indirect.scatter.add.f32 [tilespmem:s13], [sflag:$0x2], $0x1, s8, s8, $0xb8;
	[tilespmem:$0x2580] =	vst v63  }
0x94: {  	_ =	swait.ge [sflag:s6], $0x80  }
0x95: {  	[sflag:s6] =	ssyncset.done $0x0  }
.Ltmp1:
0x96: {  	[sflag:s6] =	ssyncadd.s32 $0xFFFFFF80;
	(pc) =	sbr.rel @p1 .LBB2_1-.Ltmp1, $4  }
0x97: {  	[bflag:$0x0] =	sbarrier.arrive $0xFFFF  }
0x98: {  	[hbm:s14], [sflag:s18] =	dma.local @!p0 [spmem:s15], $0x400  }
0x99: {  	_ =	swait.ge @!p0 [sflag:s16], $0x400  }
0x9a: {  	[sflag:s16] =	ssyncset.done @!p0 $0x0  }
.LBB2_2:
0x9b: {  	[sflag:s16] =	ssyncadd.s32 @!p0 $0xFFFFFC00  }
0x9c: {  	_ =	sfence.sel $0x180000  }
0x9d: {  	[bflag:$0x0] =	sbarrier.arrive $0xFFFF  }
0x9e: {  	_ =	strace $0x90000047  }
0x9f: {  	s0 =	sadd.s32 @!p0 $0x100000, s0;
	[bflag:$0x2] =	sbarrier.arrive $0xFFFF  }
0xa0: {  	[sflag:s0] =	ssyncadd.tile.s32 @!p0 $0x1;
	_ =	shalt  }
.Lfunc_end2:
_tile_overlayer_lowered:
.L_overlay_start_2:
0xa1: {  	(tag) =	ssettag $0x2  }
0xa2: {  	s0 =	rddreg [dreg:$0x0];
	s2 =	stileid.u32  }
0xa3: {  	s1 =	rddreg [dreg:$0x1];
	p0 =	sne.s32 s2, $0x0  }
0xa4: {  	s3 =	rddreg [dreg:$0x2];
	[bflag:$0x3] =	sbarrier.arrive $0xFFFF;
	s2 =	simm.s32 @!p0 $0x1C02  }
0xa5: {  	[timem:s3], [sflag:s2] =	dma.local @!p0 [hbm:s0], s1  }
0xa6: {  	s0 =	simm.s32 @!p0 $0x2  }
0xa7: {  	_ =	swait.ge @!p0 [sflag:s0], s1  }
0xa8: {  	s1 =	ssub.s32 @!p0 $0x0, s1;
	[sflag:s0] =	ssyncset.done @!p0 $0x0  }
0xa9: {  	[sflag:s0] =	ssyncadd.s32 @!p0 s1  }
0xaa: {  	[bflag:$0x3] =	sbarrier.arrive $0xFFFF  }
0xab: {  	_ =	shalt  }

</sc_bundles>
